<compile_context>
chip_gen: v7x
topology: tpu7x:2x2x1
jax: 0.10.2.dev20260603
libtpu: 0.0.44.dev20260713+nightly
codegen_flags: <defaults>
</compile_context>

<pallas_src>
import jax
import jax.numpy as jnp
from jax import lax
from jax.experimental import pallas as pl
from jax.experimental.pallas import tpu as pltpu
from jax.experimental.pallas import tpu_sc as plsc

N = 10000
E = 320000
DIM = 128
HALF = 64
NPAD = 10240
EPAD = 327680
ROWS_PT = NPAD // 16
EDGE_CHUNK = 128
EPT = EPAD // 32
SUPER = 2560


def _mesh():
    return plsc.VectorSubcoreMesh(core_axis_name="c", subcore_axis_name="s",
                                  num_cores=2, num_subcores=16)


def _fill_rows16(ref, nrows, width, value):
    v = jnp.full((16,), value, jnp.float32)
    for r in range(nrows):
        for q in range(width // 16):
            ref[r, pl.ds(q * 16, 16)] = v


def _deg_body(rowp_hbm, ones_hbm, zeros_hbm, h_hbm, hist, onesb, rowbuf,
              rowv0, rowv1, sem0, sem1):
    c = lax.axis_index("c")
    s = lax.axis_index("s")
    pltpu.sync_copy(ones_hbm, onesb)
    pltpu.sync_copy(zeros_hbm, hist.at[pl.ds(s * ROWS_PT, ROWS_PT)])
    base_e = (c * 16 + s) * EPT
    pltpu.sync_copy(rowp_hbm.at[pl.ds(base_e, EPT)], rowbuf)
    plsc.subcore_barrier()

    nchunks = EPT // EDGE_CHUNK

    def fill(j, rv):
        def cp(q, _):
            rv[pl.ds(q * 16, 16)] = rowbuf[pl.ds(j * EDGE_CHUNK + q * 16, 16)]
            return 0
        lax.fori_loop(0, EDGE_CHUNK // 16, cp, 0)

    def fire(rv, sem):
        pltpu.async_copy(onesb, hist.at[rv], sem, add=True)

    def wait(rv, sem):
        pltpu.make_async_copy(onesb, hist.at[rv], sem).wait()

    fill(0, rowv0)
    fire(rowv0, sem0)

    def pair(p, _):
        j0 = p * 2
        fill(j0 + 1, rowv1)
        fire(rowv1, sem1)
        wait(rowv0, sem0)

        @pl.when(p < nchunks // 2 - 1)
        def _():
            fill(j0 + 2, rowv0)
            fire(rowv0, sem0)

        wait(rowv1, sem1)
        return 0
    lax.fori_loop(0, nchunks // 2, pair, 0)
    plsc.subcore_barrier()

    pltpu.sync_copy(hist.at[pl.ds(s * ROWS_PT, ROWS_PT)],
                    h_hbm.at[c, pl.ds(s * ROWS_PT, ROWS_PT)])


def _deg_call():
  return pl.kernel(
    _deg_body,
    out_type=jax.ShapeDtypeStruct((2, NPAD, DIM), jnp.float32),
    mesh=_mesh(),
    scratch_types=[
        pltpu.VMEM_SHARED((NPAD, DIM), jnp.float32),
        pltpu.VMEM((EDGE_CHUNK, DIM), jnp.float32),
        pltpu.VMEM((EPT,), jnp.int32),
        pltpu.VMEM((EDGE_CHUNK,), jnp.int32),
        pltpu.VMEM((EDGE_CHUNK,), jnp.int32),
        pltpu.SemaphoreType.DMA,
        pltpu.SemaphoreType.DMA,
    ],
  )


def _agg_body(yps_hbm, rowp_hbm, colp_hbm, zeros_hbm, s_hbm,
              ytab, acc, rowbuf, colbuf, colv, rows0, rows1, sem0, sem1):
    c = lax.axis_index("c")
    s = lax.axis_index("s")
    pltpu.sync_copy(zeros_hbm, acc.at[pl.ds(s * ROWS_PT, ROWS_PT)])
    pltpu.sync_copy(yps_hbm.at[c, pl.ds(s * ROWS_PT, ROWS_PT)],
                    ytab.at[pl.ds(s * ROWS_PT, ROWS_PT)])
    base_e = s * (EPAD // 16)
    plsc.subcore_barrier()

    npairs = SUPER // EDGE_CHUNK // 2

    def fire(j, rbuf, sem):
        pltpu.async_copy(ytab.at[rowbuf.at[pl.ds(j * EDGE_CHUNK, EDGE_CHUNK)]],
                         rbuf, sem)

    def wait(rbuf, sem):
        pltpu.make_async_copy(
            ytab.at[rowbuf.at[pl.ds(0, EDGE_CHUNK)]], rbuf, sem).wait()

    def scat(j, rbuf):
        def cp(q, _):
            colv[pl.ds(q * 16, 16)] = colbuf[pl.ds(j * EDGE_CHUNK + q * 16, 16)]
            return 0
        lax.fori_loop(0, EDGE_CHUNK // 16, cp, 0)
        pltpu.sync_copy(rbuf, acc.at[colv], add=True)

    def superblock(t, _):
        sb = base_e + t * SUPER
        pltpu.sync_copy(rowp_hbm.at[pl.ds(sb, SUPER)], rowbuf)
        pltpu.sync_copy(colp_hbm.at[pl.ds(sb, SUPER)], colbuf)
        fire(0, rows0, sem0)

        def pair(p, _):
            j0 = p * 2
            fire(j0 + 1, rows1, sem1)
            wait(rows0, sem0)
            scat(j0, rows0)

            @pl.when(p < npairs - 1)
            def _():
                fire(j0 + 2, rows0, sem0)

            wait(rows1, sem1)
            scat(j0 + 1, rows1)
            return 0
        lax.fori_loop(0, npairs, pair, 0)
        return 0
    lax.fori_loop(0, (EPAD // 16) // SUPER, superblock, 0)
    plsc.subcore_barrier()

    pltpu.sync_copy(acc.at[pl.ds(s * ROWS_PT, ROWS_PT)],
                    s_hbm.at[c, pl.ds(s * ROWS_PT, ROWS_PT)])


def _agg_call():
  return pl.kernel(
    _agg_body,
    out_type=jax.ShapeDtypeStruct((2, NPAD, HALF), jnp.float32),
    mesh=_mesh(),
    compiler_params=pltpu.CompilerParams(use_tc_tiling_on_sc=False),
    scratch_types=[
        pltpu.VMEM_SHARED((NPAD, HALF), jnp.float32),
        pltpu.VMEM_SHARED((NPAD, HALF), jnp.float32),
        pltpu.VMEM((SUPER,), jnp.int32),
        pltpu.VMEM((SUPER,), jnp.int32),
        pltpu.VMEM((EDGE_CHUNK,), jnp.int32),
        pltpu.VMEM((EDGE_CHUNK, HALF), jnp.float32),
        pltpu.VMEM((EDGE_CHUNK, HALF), jnp.float32),
        pltpu.SemaphoreType.DMA,
        pltpu.SemaphoreType.DMA,
    ],
  )


_BN = 1024


def _dis(h0_ref, h1_ref):
    deg = h0_ref[:, 0:1] + h1_ref[:, 0:1] + 1.0
    return lax.rsqrt(deg)


_SPLIT_SPEC = pl.BlockSpec((2, _BN, HALF), lambda i: (0, i, 0))


def _b1_body(x_ref, w1_ref, h0_ref, h1_ref, yp_ref):
    dis = _dis(h0_ref, h1_ref)
    y = lax.dot_general(x_ref[...], w1_ref[...], (((1,), (1,)), ((), ())),
                        preferred_element_type=jnp.float32)
    yp = dis * y
    yp_ref[0, ...] = yp[:, :HALF]
    yp_ref[1, ...] = yp[:, HALF:]


def _b1_call(xp, w1, h0, h1):
    return pl.pallas_call(
        _b1_body,
        grid=(NPAD // _BN,),
        in_specs=[
            pl.BlockSpec((_BN, DIM), lambda i: (i, 0)),
            pl.BlockSpec((DIM, DIM), lambda i: (0, 0)),
            pl.BlockSpec((_BN, DIM), lambda i: (i, 0)),
            pl.BlockSpec((_BN, DIM), lambda i: (i, 0)),
        ],
        out_specs=_SPLIT_SPEC,
        out_shape=jax.ShapeDtypeStruct((2, NPAD, HALF), jnp.float32),
    )(xp, w1, h0, h1)


def _b2_body(s_ref, yp_ref, h0_ref, h1_ref, w2_ref, b1_ref, op_ref):
    dis = _dis(h0_ref, h1_ref)
    u = jnp.concatenate([s_ref[0] + yp_ref[0], s_ref[1] + yp_ref[1]], axis=1)
    h = jnp.maximum(dis * u + b1_ref[...], 0.0)
    y2 = lax.dot_general(h, w2_ref[...], (((1,), (1,)), ((), ())),
                         preferred_element_type=jnp.float32)
    yp2 = dis * y2
    op_ref[0, ...] = yp2[:, :HALF]
    op_ref[1, ...] = yp2[:, HALF:]


def _b2_call(ss, yps, h0, h1, w2, b1):
    return pl.pallas_call(
        _b2_body,
        grid=(NPAD // _BN,),
        in_specs=[
            _SPLIT_SPEC,
            _SPLIT_SPEC,
            pl.BlockSpec((_BN, DIM), lambda i: (i, 0)),
            pl.BlockSpec((_BN, DIM), lambda i: (i, 0)),
            pl.BlockSpec((DIM, DIM), lambda i: (0, 0)),
            pl.BlockSpec((1, DIM), lambda i: (0, 0)),
        ],
        out_specs=_SPLIT_SPEC,
        out_shape=jax.ShapeDtypeStruct((2, NPAD, HALF), jnp.float32),
    )(ss, yps, h0, h1, w2, b1)


def _b3_body(s_ref, yp_ref, h0_ref, h1_ref, b2_ref, out_ref):
    dis = _dis(h0_ref, h1_ref)
    u = jnp.concatenate([s_ref[0] + yp_ref[0], s_ref[1] + yp_ref[1]], axis=1)
    o = dis * u + b2_ref[...]
    m = jnp.max(o, axis=1, keepdims=True)
    e = jnp.exp(o - m)
    z = jnp.sum(e, axis=1, keepdims=True)
    out_ref[...] = o - m - jnp.log(z)


def _b3_call(tt, yps, h0, h1, b2):
    return pl.pallas_call(
        _b3_body,
        grid=(NPAD // _BN,),
        in_specs=[
            _SPLIT_SPEC,
            _SPLIT_SPEC,
            pl.BlockSpec((_BN, DIM), lambda i: (i, 0)),
            pl.BlockSpec((_BN, DIM), lambda i: (i, 0)),
            pl.BlockSpec((1, DIM), lambda i: (0, 0)),
        ],
        out_specs=pl.BlockSpec((_BN, DIM), lambda i: (i, 0)),
        out_shape=jax.ShapeDtypeStruct((NPAD, DIM), jnp.float32),
    )(tt, yps, h0, h1, b2)


def kernel(x, edge_index, W1, b1, W2, b2):
    xp = jnp.concatenate([x, jnp.zeros((NPAD - N, DIM), jnp.float32)], axis=0)
    pad = jnp.full((EPAD - E,), N, jnp.int32)
    rowp = jnp.concatenate([edge_index[0], pad])
    colp = jnp.concatenate([edge_index[1], pad])

    ones = jnp.ones((EDGE_CHUNK, DIM), jnp.float32)
    zeros_d = jnp.zeros((ROWS_PT, DIM), jnp.float32)
    zeros_h = jnp.zeros((ROWS_PT, HALF), jnp.float32)
    hh = _deg_call()(rowp, ones, zeros_d)
    h0, h1 = hh[0], hh[1]
    yps = _b1_call(xp, W1, h0, h1)
    ss = _agg_call()(yps, rowp, colp, zeros_h)
    ops = _b2_call(ss, yps, h0, h1, W2, jnp.reshape(b1, (1, DIM)))
    tt = _agg_call()(ops, rowp, colp, zeros_h)
    out = _b3_call(tt, ops, h0, h1, jnp.reshape(b2, (1, DIM)))
    return out[:N]

# --- scband reference (transcript-rebuilt; emitter-appended) ---
"""Pipeline reference for scband-dense-gcn-21045339750898 (READ-ONLY COPY).

The authoritative reference and input builder live on the scoring server;
editing this copy changes nothing except your own understanding.
"""

import jax, jax.numpy as jnp
import numpy as np

N = 10000
E = 320000
D_IN = 128
D_H = 128
D_OUT = 128


def setup_inputs(seed: int = 0):
    key = jax.random.key(seed)
    k1, k2, k3, k4 = jax.random.split(key, 4)
    x = jax.random.normal(k1, (N, D_IN), dtype=jnp.float32)
    edge_index = jax.random.randint(k2, (2, E), 0, N, dtype=jnp.int32)
    W1 = jax.random.normal(k3, (D_H, D_IN), dtype=jnp.float32) * 0.05
    b1 = jnp.zeros((D_H,), dtype=jnp.float32)
    W2 = jax.random.normal(k4, (D_OUT, D_H), dtype=jnp.float32) * 0.05
    b2 = jnp.zeros((D_OUT,), dtype=jnp.float32)
    return {"x": x, "edge_index": edge_index, "W1": W1, "b1": b1, "W2": W2, "b2": b2}


def gcn_conv(x, edge_index, W, b):
    # x = self.lin(x)
    x = x @ W.T
    n = x.shape[0]
    # add self loops with edge_weight fill_value=1.0 (edge_weight defaults to ones)
    loop = jnp.arange(n, dtype=edge_index.dtype)
    ei = jnp.concatenate([edge_index, jnp.stack([loop, loop])], axis=1)
    ew = jnp.ones((ei.shape[1],), dtype=x.dtype)
    row, col = ei[0], ei[1]
    # degree(row) counts occurrences of row index
    deg = jnp.zeros((n,), dtype=x.dtype).at[row].add(1.0)
    deg_inv_sqrt = deg ** -0.5
    norm = deg_inv_sqrt[row] * ew * deg_inv_sqrt[col]
    # propagate aggr='add', flow source_to_target: x_j = x[row], scatter-add into col
    out = jnp.zeros_like(x).at[col].add(norm[:, None] * x[row])
    return out + b


def reference(x, edge_index, W1, b1, W2, b2):
    h = jax.nn.relu(gcn_conv(x, edge_index, W1, b1))
    # dropout is identity in eval mode
    o = gcn_conv(h, edge_index, W2, b2)
    return jax.nn.log_softmax(o, axis=1)

if __name__ == "__main__":
    import jax
    _d = setup_inputs()
    print(jax.jit(kernel)(*tuple(_d.values())))

</pallas_src>

<mosaic_0001>
#map = affine_map<(d0, d1) -> (0, 0, 0)>
#map1 = affine_map<(d0, d1) -> (0)>
#map2 = affine_map<(d0, d1) -> (0, 0)>
module attributes {stable_mosaic.version = 14 : i64} {
  func.func @_agg_body(%arg0: i32, %arg1: i32, %arg2: memref<2x10240x64xf32, #tpu.memory_space<hbm>>, %arg3: memref<327680xi32, #tpu.memory_space<hbm>>, %arg4: memref<327680xi32, #tpu.memory_space<hbm>>, %arg5: memref<640x64xf32, #tpu.memory_space<hbm>>, %arg6: memref<2x10240x64xf32, #tpu.memory_space<hbm>>, %arg7: memref<10240x64xf32, #tpu.memory_space<vmem_shared>>, %arg8: memref<10240x64xf32, #tpu.memory_space<vmem_shared>>, %arg9: memref<2560xi32, #tpu.memory_space<vmem>>, %arg10: memref<2560xi32, #tpu.memory_space<vmem>>, %arg11: memref<128xi32, #tpu.memory_space<vmem>>, %arg12: memref<128x64xf32, #tpu.memory_space<vmem>>, %arg13: memref<128x64xf32, #tpu.memory_space<vmem>>, %arg14: memref<!tpu.dma_semaphore, #tpu.memory_space<semaphore_mem>>, %arg15: memref<!tpu.dma_semaphore, #tpu.memory_space<semaphore_mem>>) attributes {dimension_semantics = [#tpu.dimension_semantics<core_parallel>, #tpu.dimension_semantics<subcore_parallel>], iteration_bounds = array<i64: 2, 16>, scalar_prefetch = 0 : i64, scratch_operands = 9 : i64, tpu.core_type = #tpu.core_type<sc_vector_subcore>, window_params = [{transform_indices = #map}, {transform_indices = #map1}, {transform_indices = #map1}, {transform_indices = #map2}, {transform_indices = #map}]} {
    %mul3A = arith.constant 640 : i32
    %mul3A_0 = arith.muli %arg1, %mul3A : i32
    "tpu.region"() ({
      %run_scoped3A = tpu.sem_alloc : memref<!tpu.dma_semaphore, #tpu.memory_space<semaphore_mem>>
      %dma_start3A = arith.constant 0 : i32
      %dma_start3A_18 = tpu.memref_slice %arg8[%mul3A_0, %dma_start3A] : memref<10240x64xf32, #tpu.memory_space<vmem_shared>> -> memref<640x64xf32, #tpu.memory_space<vmem_shared>>
      tpu.enqueue_dma source(%arg5 : memref<640x64xf32, #tpu.memory_space<hbm>>) target(%dma_start3A_18 : memref<640x64xf32, #tpu.memory_space<vmem_shared>>) target_semaphore(%run_scoped3A : memref<!tpu.dma_semaphore, #tpu.memory_space<semaphore_mem>>)
      %dma_wait3A = arith.constant 0 : i32
      %dma_wait3A_19 = tpu.memref_slice %arg8[%mul3A_0, %dma_wait3A] : memref<10240x64xf32, #tpu.memory_space<vmem_shared>> -> memref<640x64xf32, #tpu.memory_space<vmem_shared>>
      tpu.wait_dma2 semaphore(%run_scoped3A : memref<!tpu.dma_semaphore, #tpu.memory_space<semaphore_mem>>) src(%arg5 : memref<640x64xf32, #tpu.memory_space<hbm>>) dst(%dma_wait3A_19 : memref<640x64xf32, #tpu.memory_space<vmem_shared>>)
      tpu.yield
    }) : () -> ()
    %mul3A_1 = arith.constant 640 : i32
    %mul3A_2 = arith.muli %arg1, %mul3A_1 : i32
    %mul3A_3 = arith.constant 640 : i32
    %mul3A_4 = arith.muli %arg1, %mul3A_3 : i32
    "tpu.region"() ({
      %run_scoped3A = tpu.sem_alloc : memref<!tpu.dma_semaphore, #tpu.memory_space<semaphore_mem>>
      %dma_start3A = arith.constant 0 : i32
      %dma_start3A_18 = tpu.memref_slice %arg7[%mul3A_4, %dma_start3A] : memref<10240x64xf32, #tpu.memory_space<vmem_shared>> -> memref<640x64xf32, #tpu.memory_space<vmem_shared>>
      %dma_start3A_19 = arith.constant 0 : i32
      %dma_start3A_20 = tpu.memref_slice %arg2[%arg0, %mul3A_2, %dma_start3A_19] : memref<2x10240x64xf32, #tpu.memory_space<hbm>> -> memref<1x640x64xf32, #tpu.memory_space<hbm>>
      %dma_start3A_21 = tpu.memref_squeeze %dma_start3A_20 : memref<1x640x64xf32, #tpu.memory_space<hbm>> -> memref<640x64xf32, #tpu.memory_space<hbm>>
      tpu.enqueue_dma source(%dma_start3A_21 : memref<640x64xf32, #tpu.memory_space<hbm>>) target(%dma_start3A_18 : memref<640x64xf32, #tpu.memory_space<vmem_shared>>) target_semaphore(%run_scoped3A : memref<!tpu.dma_semaphore, #tpu.memory_space<semaphore_mem>>)
      %dma_wait3A = arith.constant 0 : i32
      %dma_wait3A_22 = tpu.memref_slice %arg7[%mul3A_4, %dma_wait3A] : memref<10240x64xf32, #tpu.memory_space<vmem_shared>> -> memref<640x64xf32, #tpu.memory_space<vmem_shared>>
      %dma_wait3A_23 = arith.constant 0 : i32
      %dma_wait3A_24 = tpu.memref_slice %arg2[%arg0, %mul3A_2, %dma_wait3A_23] : memref<2x10240x64xf32, #tpu.memory_space<hbm>> -> memref<1x640x64xf32, #tpu.memory_space<hbm>>
      %dma_wait3A_25 = tpu.memref_squeeze %dma_wait3A_24 : memref<1x640x64xf32, #tpu.memory_space<hbm>> -> memref<640x64xf32, #tpu.memory_space<hbm>>
      tpu.wait_dma2 semaphore(%run_scoped3A : memref<!tpu.dma_semaphore, #tpu.memory_space<semaphore_mem>>) src(%dma_wait3A_25 : memref<640x64xf32, #tpu.memory_space<hbm>>) dst(%dma_wait3A_22 : memref<640x64xf32, #tpu.memory_space<vmem_shared>>)
      tpu.yield
    }) : () -> ()
    %mul3A_5 = arith.constant 20480 : i32
    %mul3A_6 = arith.muli %arg1, %mul3A_5 : i32
    %barrier3A = arith.constant 0 : index
    tpu.barrier barrier_id(%barrier3A)
    %scan3A = arith.constant 0 : i32
    %scan3A_7 = arith.constant 0 : i32
    %scan3A_8 = arith.constant 8 : i32
    %scan3A_9 = arith.addi %scan3A_7, %scan3A_8 : i32
    %scan3A_10 = arith.constant 1 : i32
    %scan3A_11 = scf.for %scan3A_18 = %scan3A_7 to %scan3A_9 step %scan3A_10 iter_args(%scan3A_19 = %scan3A) -> (i32)  : i32 {
      %mul3A_20 = arith.constant 2560 : i32
      %mul3A_21 = arith.muli %scan3A_18, %mul3A_20 : i32
      %add3A = arith.addi %mul3A_6, %mul3A_21 : i32
      "tpu.region"() ({
        %run_scoped3A = tpu.sem_alloc : memref<!tpu.dma_semaphore, #tpu.memory_space<semaphore_mem>>
        %dma_start3A_34 = tpu.memref_slice %arg3[%add3A] : memref<327680xi32, #tpu.memory_space<hbm>> -> memref<2560xi32, #tpu.memory_space<hbm>>
        %dma_start3A_35 = tpu.memref_slice %arg3[%add3A] : memref<327680xi32, #tpu.memory_space<hbm>> -> memref<2560xi32, #tpu.memory_space<hbm>>
        tpu.enqueue_dma source(%dma_start3A_35 : memref<2560xi32, #tpu.memory_space<hbm>>) target(%arg9 : memref<2560xi32, #tpu.memory_space<vmem>>) target_semaphore(%run_scoped3A : memref<!tpu.dma_semaphore, #tpu.memory_space<semaphore_mem>>)
        %dma_wait3A = tpu.memref_slice %arg3[%add3A] : memref<327680xi32, #tpu.memory_space<hbm>> -> memref<2560xi32, #tpu.memory_space<hbm>>
        %dma_wait3A_36 = tpu.memref_slice %arg3[%add3A] : memref<327680xi32, #tpu.memory_space<hbm>> -> memref<2560xi32, #tpu.memory_space<hbm>>
        tpu.wait_dma2 semaphore(%run_scoped3A : memref<!tpu.dma_semaphore, #tpu.memory_space<semaphore_mem>>) src(%dma_wait3A_36 : memref<2560xi32, #tpu.memory_space<hbm>>) dst(%arg9 : memref<2560xi32, #tpu.memory_space<vmem>>)
        tpu.yield
      }) : () -> ()
      "tpu.region"() ({
        %run_scoped3A = tpu.sem_alloc : memref<!tpu.dma_semaphore, #tpu.memory_space<semaphore_mem>>
        %dma_start3A_34 = tpu.memref_slice %arg4[%add3A] : memref<327680xi32, #tpu.memory_space<hbm>> -> memref<2560xi32, #tpu.memory_space<hbm>>
        %dma_start3A_35 = tpu.memref_slice %arg4[%add3A] : memref<327680xi32, #tpu.memory_space<hbm>> -> memref<2560xi32, #tpu.memory_space<hbm>>
        tpu.enqueue_dma source(%dma_start3A_35 : memref<2560xi32, #tpu.memory_space<hbm>>) target(%arg10 : memref<2560xi32, #tpu.memory_space<vmem>>) target_semaphore(%run_scoped3A : memref<!tpu.dma_semaphore, #tpu.memory_space<semaphore_mem>>)
        %dma_wait3A = tpu.memref_slice %arg4[%add3A] : memref<327680xi32, #tpu.memory_space<hbm>> -> memref<2560xi32, #tpu.memory_space<hbm>>
        %dma_wait3A_36 = tpu.memref_slice %arg4[%add3A] : memref<327680xi32, #tpu.memory_space<hbm>> -> memref<2560xi32, #tpu.memory_space<hbm>>
        tpu.wait_dma2 semaphore(%run_scoped3A : memref<!tpu.dma_semaphore, #tpu.memory_space<semaphore_mem>>) src(%dma_wait3A_36 : memref<2560xi32, #tpu.memory_space<hbm>>) dst(%arg10 : memref<2560xi32, #tpu.memory_space<vmem>>)
        tpu.yield
      }) : () -> ()
      %dma_start3A = arith.constant 0 : i32
      %dma_start3A_22 = tpu.memref_slice %arg9[%dma_start3A] : memref<2560xi32, #tpu.memory_space<vmem>> -> memref<128xi32, #tpu.memory_space<vmem>>
      %dma_start3A_23 = arith.constant 0 : i32
      %dma_start3A_24 = arith.constant 0 : i32
      %dma_start3A_25 = tpu.memref_slice %arg7[%dma_start3A_23, %dma_start3A_24] : memref<10240x64xf32, #tpu.memory_space<vmem_shared>> -> memref<10240x64xf32, #tpu.memory_space<vmem_shared>>
      tpu.enqueue_indirect_dma source(%dma_start3A_25 : memref<10240x64xf32, #tpu.memory_space<vmem_shared>>) target(%arg12 : memref<128x64xf32, #tpu.memory_space<vmem>>) offsets(%dma_start3A_22 : memref<128xi32, #tpu.memory_space<vmem>>) semaphore(%arg14 : memref<!tpu.dma_semaphore, #tpu.memory_space<semaphore_mem>>)
      %scan3A_26 = arith.constant 0 : i32
      %scan3A_27 = arith.constant 0 : i32
      %scan3A_28 = arith.constant 10 : i32
      %scan3A_29 = arith.addi %scan3A_27, %scan3A_28 : i32
      %scan3A_30 = arith.constant 1 : i32
      %scan3A_31 = scf.for %scan3A_34 = %scan3A_27 to %scan3A_29 step %scan3A_30 iter_args(%scan3A_35 = %scan3A_26) -> (i32)  : i32 {
        %mul3A_36 = arith.constant 2 : i32
        %mul3A_37 = arith.muli %scan3A_34, %mul3A_36 : i32
        %add3A_38 = arith.constant 1 : i32
        %add3A_39 = arith.addi %mul3A_37, %add3A_38 : i32
        %mul3A_40 = arith.constant 128 : i32
        %mul3A_41 = arith.muli %add3A_39, %mul3A_40 : i32
        %dma_start3A_42 = tpu.memref_slice %arg9[%mul3A_41] : memref<2560xi32, #tpu.memory_space<vmem>> -> memref<128xi32, #tpu.memory_space<vmem>>
        %dma_start3A_43 = arith.constant 0 : i32
        %dma_start3A_44 = arith.constant 0 : i32
        %dma_start3A_45 = tpu.memref_slice %arg7[%dma_start3A_43, %dma_start3A_44] : memref<10240x64xf32, #tpu.memory_space<vmem_shared>> -> memref<10240x64xf32, #tpu.memory_space<vmem_shared>>
        tpu.enqueue_indirect_dma source(%dma_start3A_45 : memref<10240x64xf32, #tpu.memory_space<vmem_shared>>) target(%arg13 : memref<128x64xf32, #tpu.memory_space<vmem>>) offsets(%dma_start3A_42 : memref<128xi32, #tpu.memory_space<vmem>>) semaphore(%arg15 : memref<!tpu.dma_semaphore, #tpu.memory_space<semaphore_mem>>)
        %dma_wait3A = arith.constant 0 : i32
        %dma_wait3A_46 = tpu.memref_slice %arg9[%dma_wait3A] : memref<2560xi32, #tpu.memory_space<vmem>> -> memref<128xi32, #tpu.memory_space<vmem>>
        %dma_wait3A_47 = arith.constant 0 : i32
        %dma_wait3A_48 = arith.constant 0 : i32
        %dma_wait3A_49 = tpu.memref_slice %arg7[%dma_wait3A_47, %dma_wait3A_48] : memref<10240x64xf32, #tpu.memory_space<vmem_shared>> -> memref<10240x64xf32, #tpu.memory_space<vmem_shared>>
        tpu.wait_indirect_dma semaphore(%arg14 : memref<!tpu.dma_semaphore, #tpu.memory_space<semaphore_mem>>) src(%dma_wait3A_49 : memref<10240x64xf32, #tpu.memory_space<vmem_shared>>) dst(%arg12 : memref<128x64xf32, #tpu.memory_space<vmem>>)
        %scan3A_50 = arith.constant 0 : i32
        %scan3A_51 = arith.constant 0 : i32
        %scan3A_52 = arith.constant 8 : i32
        %scan3A_53 = arith.addi %scan3A_51, %scan3A_52 : i32
        %scan3A_54 = arith.constant 1 : i32
        %scan3A_55 = scf.for %scan3A_74 = %scan3A_51 to %scan3A_53 step %scan3A_54 iter_args(%scan3A_75 = %scan3A_50) -> (i32)  : i32 {
          %mul3A_76 = arith.constant 128 : i32
          %mul3A_77 = arith.muli %mul3A_37, %mul3A_76 : i32
          %mul3A_78 = arith.constant 16 : i32
          %mul3A_79 = arith.muli %scan3A_74, %mul3A_78 : i32
          %add3A_80 = arith.addi %mul3A_77, %mul3A_79 : i32
          %get3A = arith.index_cast %add3A_80 : i32 to index
          %get3A_81 = tpu.vector_load %arg10[%get3A] {strides = array<i32>} : memref<2560xi32, #tpu.memory_space<vmem>>, vector<16xi32>,
          %get3A_82 = vector.shape_cast %get3A_81 : vector<16xi32> to vector<16xi32>
          %mul3A_83 = arith.constant 16 : i32
          %mul3A_84 = arith.muli %scan3A_74, %mul3A_83 : i32
          %swap3A = arith.index_cast %mul3A_84 : i32 to index
          %swap3A_85 = tpu.vector_load %arg11[%swap3A] {strides = array<i32>} : memref<128xi32, #tpu.memory_space<vmem>>, vector<16xi32>,
          %swap3A_86 = vector.shape_cast %swap3A_85 : vector<16xi32> to vector<16xi32>
          %swap3A_87 = vector.shape_cast %get3A_82 : vector<16xi32> to vector<16xi32>
          tpu.vector_store %arg11[%swap3A], %swap3A_87 {strides = array<i32>} : memref<128xi32, #tpu.memory_space<vmem>>, vector<16xi32>,
          %scan3A_88 = arith.constant 0 : i32
          scf.yield %scan3A_88 : i32
        }
        %scan3A_56 = arith.constant 8 : i32
        "tpu.region"() ({
          %run_scoped3A = tpu.sem_alloc : memref<!tpu.dma_semaphore, #tpu.memory_space<semaphore_mem>>
          %dma_start3A_74 = arith.constant 0 : i32
          %dma_start3A_75 = arith.constant 0 : i32
          %dma_start3A_76 = tpu.memref_slice %arg8[%dma_start3A_74, %dma_start3A_75] : memref<10240x64xf32, #tpu.memory_space<vmem_shared>> -> memref<10240x64xf32, #tpu.memory_space<vmem_shared>>
          tpu.enqueue_indirect_dma source(%arg12 : memref<128x64xf32, #tpu.memory_space<vmem>>) target(%dma_start3A_76 : memref<10240x64xf32, #tpu.memory_space<vmem_shared>>) offsets(%arg11 : memref<128xi32, #tpu.memory_space<vmem>>) semaphore(%run_scoped3A : memref<!tpu.dma_semaphore, #tpu.memory_space<semaphore_mem>>) {add = true}
          %dma_wait3A_77 = arith.constant 0 : i32
          %dma_wait3A_78 = arith.constant 0 : i32
          %dma_wait3A_79 = tpu.memref_slice %arg8[%dma_wait3A_77, %dma_wait3A_78] : memref<10240x64xf32, #tpu.memory_space<vmem_shared>> -> memref<10240x64xf32, #tpu.memory_space<vmem_shared>>
          tpu.wait_indirect_dma semaphore(%run_scoped3A : memref<!tpu.dma_semaphore, #tpu.memory_space<semaphore_mem>>) src(%arg12 : memref<128x64xf32, #tpu.memory_space<vmem>>) dst(%dma_wait3A_79 : memref<10240x64xf32, #tpu.memory_space<vmem_shared>>)
          tpu.yield
        }) : () -> ()
        %lt3A = arith.constant 9 : i32
        %lt3A_57 = arith.cmpi slt, %scan3A_34, %lt3A : i32
        %convert_element_type3A = arith.extui %lt3A_57 : i1 to i32
        %cond3A = arith.constant 0 : i32
        %cond3A_58 = arith.cmpi ne, %convert_element_type3A, %cond3A : i32
        scf.if %cond3A_58 {
          %add3A_74 = arith.constant 2 : i32
          %add3A_75 = arith.addi %mul3A_37, %add3A_74 : i32
          %mul3A_76 = arith.constant 128 : i32
          %mul3A_77 = arith.muli %add3A_75, %mul3A_76 : i32
          %dma_start3A_78 = tpu.memref_slice %arg9[%mul3A_77] : memref<2560xi32, #tpu.memory_space<vmem>> -> memref<128xi32, #tpu.memory_space<vmem>>
          %dma_start3A_79 = arith.constant 0 : i32
          %dma_start3A_80 = arith.constant 0 : i32
          %dma_start3A_81 = tpu.memref_slice %arg7[%dma_start3A_79, %dma_start3A_80] : memref<10240x64xf32, #tpu.memory_space<vmem_shared>> -> memref<10240x64xf32, #tpu.memory_space<vmem_shared>>
          tpu.enqueue_indirect_dma source(%dma_start3A_81 : memref<10240x64xf32, #tpu.memory_space<vmem_shared>>) target(%arg12 : memref<128x64xf32, #tpu.memory_space<vmem>>) offsets(%dma_start3A_78 : memref<128xi32, #tpu.memory_space<vmem>>) semaphore(%arg14 : memref<!tpu.dma_semaphore, #tpu.memory_space<semaphore_mem>>)
        } else {
        }
        %dma_wait3A_59 = arith.constant 0 : i32
        %dma_wait3A_60 = tpu.memref_slice %arg9[%dma_wait3A_59] : memref<2560xi32, #tpu.memory_space<vmem>> -> memref<128xi32, #tpu.memory_space<vmem>>
        %dma_wait3A_61 = arith.constant 0 : i32
        %dma_wait3A_62 = arith.constant 0 : i32
        %dma_wait3A_63 = tpu.memref_slice %arg7[%dma_wait3A_61, %dma_wait3A_62] : memref<10240x64xf32, #tpu.memory_space<vmem_shared>> -> memref<10240x64xf32, #tpu.memory_space<vmem_shared>>
        tpu.wait_indirect_dma semaphore(%arg15 : memref<!tpu.dma_semaphore, #tpu.memory_space<semaphore_mem>>) src(%dma_wait3A_63 : memref<10240x64xf32, #tpu.memory_space<vmem_shared>>) dst(%arg13 : memref<128x64xf32, #tpu.memory_space<vmem>>)
        %add3A_64 = arith.constant 1 : i32
        %add3A_65 = arith.addi %mul3A_37, %add3A_64 : i32
        %scan3A_66 = arith.constant 0 : i32
        %scan3A_67 = arith.constant 0 : i32
        %scan3A_68 = arith.constant 8 : i32
        %scan3A_69 = arith.addi %scan3A_67, %scan3A_68 : i32
        %scan3A_70 = arith.constant 1 : i32
        %scan3A_71 = scf.for %scan3A_74 = %scan3A_67 to %scan3A_69 step %scan3A_70 iter_args(%scan3A_75 = %scan3A_66) -> (i32)  : i32 {
          %mul3A_76 = arith.constant 128 : i32
          %mul3A_77 = arith.muli %add3A_65, %mul3A_76 : i32
          %mul3A_78 = arith.constant 16 : i32
          %mul3A_79 = arith.muli %scan3A_74, %mul3A_78 : i32
          %add3A_80 = arith.addi %mul3A_77, %mul3A_79 : i32
          %get3A = arith.index_cast %add3A_80 : i32 to index
          %get3A_81 = tpu.vector_load %arg10[%get3A] {strides = array<i32>} : memref<2560xi32, #tpu.memory_space<vmem>>, vector<16xi32>,
          %get3A_82 = vector.shape_cast %get3A_81 : vector<16xi32> to vector<16xi32>
          %mul3A_83 = arith.constant 16 : i32
          %mul3A_84 = arith.muli %scan3A_74, %mul3A_83 : i32
          %swap3A = arith.index_cast %mul3A_84 : i32 to index
          %swap3A_85 = tpu.vector_load %arg11[%swap3A] {strides = array<i32>} : memref<128xi32, #tpu.memory_space<vmem>>, vector<16xi32>,
          %swap3A_86 = vector.shape_cast %swap3A_85 : vector<16xi32> to vector<16xi32>
          %swap3A_87 = vector.shape_cast %get3A_82 : vector<16xi32> to vector<16xi32>
          tpu.vector_store %arg11[%swap3A], %swap3A_87 {strides = array<i32>} : memref<128xi32, #tpu.memory_space<vmem>>, vector<16xi32>,
          %scan3A_88 = arith.constant 0 : i32
          scf.yield %scan3A_88 : i32
        }
        %scan3A_72 = arith.constant 8 : i32
        "tpu.region"() ({
          %run_scoped3A = tpu.sem_alloc : memref<!tpu.dma_semaphore, #tpu.memory_space<semaphore_mem>>
          %dma_start3A_74 = arith.constant 0 : i32
          %dma_start3A_75 = arith.constant 0 : i32
          %dma_start3A_76 = tpu.memref_slice %arg8[%dma_start3A_74, %dma_start3A_75] : memref<10240x64xf32, #tpu.memory_space<vmem_shared>> -> memref<10240x64xf32, #tpu.memory_space<vmem_shared>>
          tpu.enqueue_indirect_dma source(%arg13 : memref<128x64xf32, #tpu.memory_space<vmem>>) target(%dma_start3A_76 : memref<10240x64xf32, #tpu.memory_space<vmem_shared>>) offsets(%arg11 : memref<128xi32, #tpu.memory_space<vmem>>) semaphore(%run_scoped3A : memref<!tpu.dma_semaphore, #tpu.memory_space<semaphore_mem>>) {add = true}
          %dma_wait3A_77 = arith.constant 0 : i32
          %dma_wait3A_78 = arith.constant 0 : i32
          %dma_wait3A_79 = tpu.memref_slice %arg8[%dma_wait3A_77, %dma_wait3A_78] : memref<10240x64xf32, #tpu.memory_space<vmem_shared>> -> memref<10240x64xf32, #tpu.memory_space<vmem_shared>>
          tpu.wait_indirect_dma semaphore(%run_scoped3A : memref<!tpu.dma_semaphore, #tpu.memory_space<semaphore_mem>>) src(%arg13 : memref<128x64xf32, #tpu.memory_space<vmem>>) dst(%dma_wait3A_79 : memref<10240x64xf32, #tpu.memory_space<vmem_shared>>)
          tpu.yield
        }) : () -> ()
        %scan3A_73 = arith.constant 0 : i32
        scf.yield %scan3A_73 : i32
      }
      %scan3A_32 = arith.constant 10 : i32
      %scan3A_33 = arith.constant 0 : i32
      scf.yield %scan3A_33 : i32
    }
    %scan3A_12 = arith.constant 8 : i32
    %barrier3A_13 = arith.constant 0 : index
    tpu.barrier barrier_id(%barrier3A_13)
    %mul3A_14 = arith.constant 640 : i32
    %mul3A_15 = arith.muli %arg1, %mul3A_14 : i32
    %mul3A_16 = arith.constant 640 : i32
    %mul3A_17 = arith.muli %arg1, %mul3A_16 : i32
    "tpu.region"() ({
      %run_scoped3A = tpu.sem_alloc : memref<!tpu.dma_semaphore, #tpu.memory_space<semaphore_mem>>
      %dma_start3A = arith.constant 0 : i32
      %dma_start3A_18 = tpu.memref_slice %arg6[%arg0, %mul3A_17, %dma_start3A] : memref<2x10240x64xf32, #tpu.memory_space<hbm>> -> memref<1x640x64xf32, #tpu.memory_space<hbm>>
      %dma_start3A_19 = tpu.memref_squeeze %dma_start3A_18 : memref<1x640x64xf32, #tpu.memory_space<hbm>> -> memref<640x64xf32, #tpu.memory_space<hbm>>
      %dma_start3A_20 = arith.constant 0 : i32
      %dma_start3A_21 = tpu.memref_slice %arg8[%mul3A_15, %dma_start3A_20] : memref<10240x64xf32, #tpu.memory_space<vmem_shared>> -> memref<640x64xf32, #tpu.memory_space<vmem_shared>>
      tpu.enqueue_dma source(%dma_start3A_21 : memref<640x64xf32, #tpu.memory_space<vmem_shared>>) target(%dma_start3A_19 : memref<640x64xf32, #tpu.memory_space<hbm>>) target_semaphore(%run_scoped3A : memref<!tpu.dma_semaphore, #tpu.memory_space<semaphore_mem>>)
      %dma_wait3A = arith.constant 0 : i32
      %dma_wait3A_22 = tpu.memref_slice %arg6[%arg0, %mul3A_17, %dma_wait3A] : memref<2x10240x64xf32, #tpu.memory_space<hbm>> -> memref<1x640x64xf32, #tpu.memory_space<hbm>>
      %dma_wait3A_23 = tpu.memref_squeeze %dma_wait3A_22 : memref<1x640x64xf32, #tpu.memory_space<hbm>> -> memref<640x64xf32, #tpu.memory_space<hbm>>
      %dma_wait3A_24 = arith.constant 0 : i32
      %dma_wait3A_25 = tpu.memref_slice %arg8[%mul3A_15, %dma_wait3A_24] : memref<10240x64xf32, #tpu.memory_space<vmem_shared>> -> memref<640x64xf32, #tpu.memory_space<vmem_shared>>
      tpu.wait_dma2 semaphore(%run_scoped3A : memref<!tpu.dma_semaphore, #tpu.memory_space<semaphore_mem>>) src(%dma_wait3A_25 : memref<640x64xf32, #tpu.memory_space<vmem_shared>>) dst(%dma_wait3A_23 : memref<640x64xf32, #tpu.memory_space<hbm>>)
      tpu.yield
    }) : () -> ()
    return
  }
}

#map = affine_map<(d0, d1) -> (0, 0, 0)>
#map1 = affine_map<(d0, d1) -> (0)>
#map2 = affine_map<(d0, d1) -> (0, 0)>
module attributes {stable_mosaic.version = 14 : i64} {
  func.func @_agg_body(%arg0: i32, %arg1: i32, %arg2: memref<2x10240x64xf32, #tpu.memory_space<hbm>>, %arg3: memref<327680xi32, #tpu.memory_space<hbm>>, %arg4: memref<327680xi32, #tpu.memory_space<hbm>>, %arg5: memref<640x64xf32, #tpu.memory_space<hbm>>, %arg6: memref<2x10240x64xf32, #tpu.memory_space<hbm>>, %arg7: memref<10240x64xf32, #tpu.memory_space<vmem_shared>>, %arg8: memref<10240x64xf32, #tpu.memory_space<vmem_shared>>, %arg9: memref<2560xi32, #tpu.memory_space<vmem>>, %arg10: memref<2560xi32, #tpu.memory_space<vmem>>, %arg11: memref<128xi32, #tpu.memory_space<vmem>>, %arg12: memref<128x64xf32, #tpu.memory_space<vmem>>, %arg13: memref<128x64xf32, #tpu.memory_space<vmem>>, %arg14: memref<!tpu.dma_semaphore, #tpu.memory_space<semaphore_mem>>, %arg15: memref<!tpu.dma_semaphore, #tpu.memory_space<semaphore_mem>>) attributes {dimension_semantics = [#tpu.dimension_semantics<core_parallel>, #tpu.dimension_semantics<subcore_parallel>], iteration_bounds = array<i64: 2, 16>, scalar_prefetch = 0 : i64, scratch_operands = 9 : i64, tpu.core_type = #tpu.core_type<sc_vector_subcore>, window_params = [{transform_indices = #map}, {transform_indices = #map1}, {transform_indices = #map1}, {transform_indices = #map2}, {transform_indices = #map}]} {
    %mul3A = arith.constant 640 : i32
    %mul3A_0 = arith.muli %arg1, %mul3A : i32
    "tpu.region"() ({
      %run_scoped3A = tpu.sem_alloc : memref<!tpu.dma_semaphore, #tpu.memory_space<semaphore_mem>>
      %dma_start3A = arith.constant 0 : i32
      %dma_start3A_18 = tpu.memref_slice %arg8[%mul3A_0, %dma_start3A] : memref<10240x64xf32, #tpu.memory_space<vmem_shared>> -> memref<640x64xf32, #tpu.memory_space<vmem_shared>>
      tpu.enqueue_dma source(%arg5 : memref<640x64xf32, #tpu.memory_space<hbm>>) target(%dma_start3A_18 : memref<640x64xf32, #tpu.memory_space<vmem_shared>>) target_semaphore(%run_scoped3A : memref<!tpu.dma_semaphore, #tpu.memory_space<semaphore_mem>>)
      %dma_wait3A = arith.constant 0 : i32
      %dma_wait3A_19 = tpu.memref_slice %arg8[%mul3A_0, %dma_wait3A] : memref<10240x64xf32, #tpu.memory_space<vmem_shared>> -> memref<640x64xf32, #tpu.memory_space<vmem_shared>>
      tpu.wait_dma2 semaphore(%run_scoped3A : memref<!tpu.dma_semaphore, #tpu.memory_space<semaphore_mem>>) src(%arg5 : memref<640x64xf32, #tpu.memory_space<hbm>>) dst(%dma_wait3A_19 : memref<640x64xf32, #tpu.memory_space<vmem_shared>>)
      tpu.yield
    }) : () -> ()
    %mul3A_1 = arith.constant 640 : i32
    %mul3A_2 = arith.muli %arg1, %mul3A_1 : i32
    %mul3A_3 = arith.constant 640 : i32
    %mul3A_4 = arith.muli %arg1, %mul3A_3 : i32
    "tpu.region"() ({
      %run_scoped3A = tpu.sem_alloc : memref<!tpu.dma_semaphore, #tpu.memory_space<semaphore_mem>>
      %dma_start3A = arith.constant 0 : i32
      %dma_start3A_18 = tpu.memref_slice %arg7[%mul3A_4, %dma_start3A] : memref<10240x64xf32, #tpu.memory_space<vmem_shared>> -> memref<640x64xf32, #tpu.memory_space<vmem_shared>>
      %dma_start3A_19 = arith.constant 0 : i32
      %dma_start3A_20 = tpu.memref_slice %arg2[%arg0, %mul3A_2, %dma_start3A_19] : memref<2x10240x64xf32, #tpu.memory_space<hbm>> -> memref<1x640x64xf32, #tpu.memory_space<hbm>>
      %dma_start3A_21 = tpu.memref_squeeze %dma_start3A_20 : memref<1x640x64xf32, #tpu.memory_space<hbm>> -> memref<640x64xf32, #tpu.memory_space<hbm>>
      tpu.enqueue_dma source(%dma_start3A_21 : memref<640x64xf32, #tpu.memory_space<hbm>>) target(%dma_start3A_18 : memref<640x64xf32, #tpu.memory_space<vmem_shared>>) target_semaphore(%run_scoped3A : memref<!tpu.dma_semaphore, #tpu.memory_space<semaphore_mem>>)
      %dma_wait3A = arith.constant 0 : i32
      %dma_wait3A_22 = tpu.memref_slice %arg7[%mul3A_4, %dma_wait3A] : memref<10240x64xf32, #tpu.memory_space<vmem_shared>> -> memref<640x64xf32, #tpu.memory_space<vmem_shared>>
      %dma_wait3A_23 = arith.constant 0 : i32
      %dma_wait3A_24 = tpu.memref_slice %arg2[%arg0, %mul3A_2, %dma_wait3A_23] : memref<2x10240x64xf32, #tpu.memory_space<hbm>> -> memref<1x640x64xf32, #tpu.memory_space<hbm>>
      %dma_wait3A_25 = tpu.memref_squeeze %dma_wait3A_24 : memref<1x640x64xf32, #tpu.memory_space<hbm>> -> memref<640x64xf32, #tpu.memory_space<hbm>>
      tpu.wait_dma2 semaphore(%run_scoped3A : memref<!tpu.dma_semaphore, #tpu.memory_space<semaphore_mem>>) src(%dma_wait3A_25 : memref<640x64xf32, #tpu.memory_space<hbm>>) dst(%dma_wait3A_22 : memref<640x64xf32, #tpu.memory_space<vmem_shared>>)
      tpu.yield
    }) : () -> ()
    %mul3A_5 = arith.constant 20480 : i32
    %mul3A_6 = arith.muli %arg1, %mul3A_5 : i32
    %barrier3A = arith.constant 0 : index
    tpu.barrier barrier_id(%barrier3A)
    %scan3A = arith.constant 0 : i32
    %scan3A_7 = arith.constant 0 : i32
    %scan3A_8 = arith.constant 8 : i32
    %scan3A_9 = arith.addi %scan3A_7, %scan3A_8 : i32
    %scan3A_10 = arith.constant 1 : i32
    %scan3A_11 = scf.for %scan3A_18 = %scan3A_7 to %scan3A_9 step %scan3A_10 iter_args(%scan3A_19 = %scan3A) -> (i32)  : i32 {
      %mul3A_20 = arith.constant 2560 : i32
      %mul3A_21 = arith.muli %scan3A_18, %mul3A_20 : i32
      %add3A = arith.addi %mul3A_6, %mul3A_21 : i32
      "tpu.region"() ({
        %run_scoped3A = tpu.sem_alloc : memref<!tpu.dma_semaphore, #tpu.memory_space<semaphore_mem>>
        %dma_start3A_34 = tpu.memref_slice %arg3[%add3A] : memref<327680xi32, #tpu.memory_space<hbm>> -> memref<2560xi32, #tpu.memory_space<hbm>>
        %dma_start3A_35 = tpu.memref_slice %arg3[%add3A] : memref<327680xi32, #tpu.memory_space<hbm>> -> memref<2560xi32, #tpu.memory_space<hbm>>
        tpu.enqueue_dma source(%dma_start3A_35 : memref<2560xi32, #tpu.memory_space<hbm>>) target(%arg9 : memref<2560xi32, #tpu.memory_space<vmem>>) target_semaphore(%run_scoped3A : memref<!tpu.dma_semaphore, #tpu.memory_space<semaphore_mem>>)
        %dma_wait3A = tpu.memref_slice %arg3[%add3A] : memref<327680xi32, #tpu.memory_space<hbm>> -> memref<2560xi32, #tpu.memory_space<hbm>>
        %dma_wait3A_36 = tpu.memref_slice %arg3[%add3A] : memref<327680xi32, #tpu.memory_space<hbm>> -> memref<2560xi32, #tpu.memory_space<hbm>>
        tpu.wait_dma2 semaphore(%run_scoped3A : memref<!tpu.dma_semaphore, #tpu.memory_space<semaphore_mem>>) src(%dma_wait3A_36 : memref<2560xi32, #tpu.memory_space<hbm>>) dst(%arg9 : memref<2560xi32, #tpu.memory_space<vmem>>)
        tpu.yield
      }) : () -> ()
      "tpu.region"() ({
        %run_scoped3A = tpu.sem_alloc : memref<!tpu.dma_semaphore, #tpu.memory_space<semaphore_mem>>
        %dma_start3A_34 = tpu.memref_slice %arg4[%add3A] : memref<327680xi32, #tpu.memory_space<hbm>> -> memref<2560xi32, #tpu.memory_space<hbm>>
        %dma_start3A_35 = tpu.memref_slice %arg4[%add3A] : memref<327680xi32, #tpu.memory_space<hbm>> -> memref<2560xi32, #tpu.memory_space<hbm>>
        tpu.enqueue_dma source(%dma_start3A_35 : memref<2560xi32, #tpu.memory_space<hbm>>) target(%arg10 : memref<2560xi32, #tpu.memory_space<vmem>>) target_semaphore(%run_scoped3A : memref<!tpu.dma_semaphore, #tpu.memory_space<semaphore_mem>>)
        %dma_wait3A = tpu.memref_slice %arg4[%add3A] : memref<327680xi32, #tpu.memory_space<hbm>> -> memref<2560xi32, #tpu.memory_space<hbm>>
        %dma_wait3A_36 = tpu.memref_slice %arg4[%add3A] : memref<327680xi32, #tpu.memory_space<hbm>> -> memref<2560xi32, #tpu.memory_space<hbm>>
        tpu.wait_dma2 semaphore(%run_scoped3A : memref<!tpu.dma_semaphore, #tpu.memory_space<semaphore_mem>>) src(%dma_wait3A_36 : memref<2560xi32, #tpu.memory_space<hbm>>) dst(%arg10 : memref<2560xi32, #tpu.memory_space<vmem>>)
        tpu.yield
      }) : () -> ()
      %dma_start3A = arith.constant 0 : i32
      %dma_start3A_22 = tpu.memref_slice %arg9[%dma_start3A] : memref<2560xi32, #tpu.memory_space<vmem>> -> memref<128xi32, #tpu.memory_space<vmem>>
      %dma_start3A_23 = arith.constant 0 : i32
      %dma_start3A_24 = arith.constant 0 : i32
      %dma_start3A_25 = tpu.memref_slice %arg7[%dma_start3A_23, %dma_start3A_24] : memref<10240x64xf32, #tpu.memory_space<vmem_shared>> -> memref<10240x64xf32, #tpu.memory_space<vmem_shared>>
      tpu.enqueue_indirect_dma source(%dma_start3A_25 : memref<10240x64xf32, #tpu.memory_space<vmem_shared>>) target(%arg12 : memref<128x64xf32, #tpu.memory_space<vmem>>) offsets(%dma_start3A_22 : memref<128xi32, #tpu.memory_space<vmem>>) semaphore(%arg14 : memref<!tpu.dma_semaphore, #tpu.memory_space<semaphore_mem>>)
      %scan3A_26 = arith.constant 0 : i32
      %scan3A_27 = arith.constant 0 : i32
      %scan3A_28 = arith.constant 10 : i32
      %scan3A_29 = arith.addi %scan3A_27, %scan3A_28 : i32
      %scan3A_30 = arith.constant 1 : i32
      %scan3A_31 = scf.for %scan3A_34 = %scan3A_27 to %scan3A_29 step %scan3A_30 iter_args(%scan3A_35 = %scan3A_26) -> (i32)  : i32 {
        %mul3A_36 = arith.constant 2 : i32
        %mul3A_37 = arith.muli %scan3A_34, %mul3A_36 : i32
        %add3A_38 = arith.constant 1 : i32
        %add3A_39 = arith.addi %mul3A_37, %add3A_38 : i32
        %mul3A_40 = arith.constant 128 : i32
        %mul3A_41 = arith.muli %add3A_39, %mul3A_40 : i32
        %dma_start3A_42 = tpu.memref_slice %arg9[%mul3A_41] : memref<2560xi32, #tpu.memory_space<vmem>> -> memref<128xi32, #tpu.memory_space<vmem>>
        %dma_start3A_43 = arith.constant 0 : i32
        %dma_start3A_44 = arith.constant 0 : i32
        %dma_start3A_45 = tpu.memref_slice %arg7[%dma_start3A_43, %dma_start3A_44] : memref<10240x64xf32, #tpu.memory_space<vmem_shared>> -> memref<10240x64xf32, #tpu.memory_space<vmem_shared>>
        tpu.enqueue_indirect_dma source(%dma_start3A_45 : memref<10240x64xf32, #tpu.memory_space<vmem_shared>>) target(%arg13 : memref<128x64xf32, #tpu.memory_space<vmem>>) offsets(%dma_start3A_42 : memref<128xi32, #tpu.memory_space<vmem>>) semaphore(%arg15 : memref<!tpu.dma_semaphore, #tpu.memory_space<semaphore_mem>>)
        %dma_wait3A = arith.constant 0 : i32
        %dma_wait3A_46 = tpu.memref_slice %arg9[%dma_wait3A] : memref<2560xi32, #tpu.memory_space<vmem>> -> memref<128xi32, #tpu.memory_space<vmem>>
        %dma_wait3A_47 = arith.constant 0 : i32
        %dma_wait3A_48 = arith.constant 0 : i32
        %dma_wait3A_49 = tpu.memref_slice %arg7[%dma_wait3A_47, %dma_wait3A_48] : memref<10240x64xf32, #tpu.memory_space<vmem_shared>> -> memref<10240x64xf32, #tpu.memory_space<vmem_shared>>
        tpu.wait_indirect_dma semaphore(%arg14 : memref<!tpu.dma_semaphore, #tpu.memory_space<semaphore_mem>>) src(%dma_wait3A_49 : memref<10240x64xf32, #tpu.memory_space<vmem_shared>>) dst(%arg12 : memref<128x64xf32, #tpu.memory_space<vmem>>)
        %scan3A_50 = arith.constant 0 : i32
        %scan3A_51 = arith.constant 0 : i32
        %scan3A_52 = arith.constant 8 : i32
        %scan3A_53 = arith.addi %scan3A_51, %scan3A_52 : i32
        %scan3A_54 = arith.constant 1 : i32
        %scan3A_55 = scf.for %scan3A_74 = %scan3A_51 to %scan3A_53 step %scan3A_54 iter_args(%scan3A_75 = %scan3A_50) -> (i32)  : i32 {
          %mul3A_76 = arith.constant 128 : i32
          %mul3A_77 = arith.muli %mul3A_37, %mul3A_76 : i32
          %mul3A_78 = arith.constant 16 : i32
          %mul3A_79 = arith.muli %scan3A_74, %mul3A_78 : i32
          %add3A_80 = arith.addi %mul3A_77, %mul3A_79 : i32
          %get3A = arith.index_cast %add3A_80 : i32 to index
          %get3A_81 = tpu.vector_load %arg10[%get3A] {strides = array<i32>} : memref<2560xi32, #tpu.memory_space<vmem>>, vector<16xi32>,
          %get3A_82 = vector.shape_cast %get3A_81 : vector<16xi32> to vector<16xi32>
          %mul3A_83 = arith.constant 16 : i32
          %mul3A_84 = arith.muli %scan3A_74, %mul3A_83 : i32
          %swap3A = arith.index_cast %mul3A_84 : i32 to index
          %swap3A_85 = tpu.vector_load %arg11[%swap3A] {strides = array<i32>} : memref<128xi32, #tpu.memory_space<vmem>>, vector<16xi32>,
          %swap3A_86 = vector.shape_cast %swap3A_85 : vector<16xi32> to vector<16xi32>
          %swap3A_87 = vector.shape_cast %get3A_82 : vector<16xi32> to vector<16xi32>
          tpu.vector_store %arg11[%swap3A], %swap3A_87 {strides = array<i32>} : memref<128xi32, #tpu.memory_space<vmem>>, vector<16xi32>,
          %scan3A_88 = arith.constant 0 : i32
          scf.yield %scan3A_88 : i32
        }
        %scan3A_56 = arith.constant 8 : i32
        "tpu.region"() ({
          %run_scoped3A = tpu.sem_alloc : memref<!tpu.dma_semaphore, #tpu.memory_space<semaphore_mem>>
          %dma_start3A_74 = arith.constant 0 : i32
          %dma_start3A_75 = arith.constant 0 : i32
          %dma_start3A_76 = tpu.memref_slice %arg8[%dma_start3A_74, %dma_start3A_75] : memref<10240x64xf32, #tpu.memory_space<vmem_shared>> -> memref<10240x64xf32, #tpu.memory_space<vmem_shared>>
          tpu.enqueue_indirect_dma source(%arg12 : memref<128x64xf32, #tpu.memory_space<vmem>>) target(%dma_start3A_76 : memref<10240x64xf32, #tpu.memory_space<vmem_shared>>) offsets(%arg11 : memref<128xi32, #tpu.memory_space<vmem>>) semaphore(%run_scoped3A : memref<!tpu.dma_semaphore, #tpu.memory_space<semaphore_mem>>) {add = true}
          %dma_wait3A_77 = arith.constant 0 : i32
          %dma_wait3A_78 = arith.constant 0 : i32
          %dma_wait3A_79 = tpu.memref_slice %arg8[%dma_wait3A_77, %dma_wait3A_78] : memref<10240x64xf32, #tpu.memory_space<vmem_shared>> -> memref<10240x64xf32, #tpu.memory_space<vmem_shared>>
          tpu.wait_indirect_dma semaphore(%run_scoped3A : memref<!tpu.dma_semaphore, #tpu.memory_space<semaphore_mem>>) src(%arg12 : memref<128x64xf32, #tpu.memory_space<vmem>>) dst(%dma_wait3A_79 : memref<10240x64xf32, #tpu.memory_space<vmem_shared>>)
          tpu.yield
        }) : () -> ()
        %lt3A = arith.constant 9 : i32
        %lt3A_57 = arith.cmpi slt, %scan3A_34, %lt3A : i32
        %convert_element_type3A = arith.extui %lt3A_57 : i1 to i32
        %cond3A = arith.constant 0 : i32
        %cond3A_58 = arith.cmpi ne, %convert_element_type3A, %cond3A : i32
        scf.if %cond3A_58 {
          %add3A_74 = arith.constant 2 : i32
          %add3A_75 = arith.addi %mul3A_37, %add3A_74 : i32
          %mul3A_76 = arith.constant 128 : i32
          %mul3A_77 = arith.muli %add3A_75, %mul3A_76 : i32
          %dma_start3A_78 = tpu.memref_slice %arg9[%mul3A_77] : memref<2560xi32, #tpu.memory_space<vmem>> -> memref<128xi32, #tpu.memory_space<vmem>>
          %dma_start3A_79 = arith.constant 0 : i32
          %dma_start3A_80 = arith.constant 0 : i32
          %dma_start3A_81 = tpu.memref_slice %arg7[%dma_start3A_79, %dma_start3A_80] : memref<10240x64xf32, #tpu.memory_space<vmem_shared>> -> memref<10240x64xf32, #tpu.memory_space<vmem_shared>>
          tpu.enqueue_indirect_dma source(%dma_start3A_81 : memref<10240x64xf32, #tpu.memory_space<vmem_shared>>) target(%arg12 : memref<128x64xf32, #tpu.memory_space<vmem>>) offsets(%dma_start3A_78 : memref<128xi32, #tpu.memory_space<vmem>>) semaphore(%arg14 : memref<!tpu.dma_semaphore, #tpu.memory_space<semaphore_mem>>)
        } else {
        }
        %dma_wait3A_59 = arith.constant 0 : i32
        %dma_wait3A_60 = tpu.memref_slice %arg9[%dma_wait3A_59] : memref<2560xi32, #tpu.memory_space<vmem>> -> memref<128xi32, #tpu.memory_space<vmem>>
        %dma_wait3A_61 = arith.constant 0 : i32
        %dma_wait3A_62 = arith.constant 0 : i32
        %dma_wait3A_63 = tpu.memref_slice %arg7[%dma_wait3A_61, %dma_wait3A_62] : memref<10240x64xf32, #tpu.memory_space<vmem_shared>> -> memref<10240x64xf32, #tpu.memory_space<vmem_shared>>
        tpu.wait_indirect_dma semaphore(%arg15 : memref<!tpu.dma_semaphore, #tpu.memory_space<semaphore_mem>>) src(%dma_wait3A_63 : memref<10240x64xf32, #tpu.memory_space<vmem_shared>>) dst(%arg13 : memref<128x64xf32, #tpu.memory_space<vmem>>)
        %add3A_64 = arith.constant 1 : i32
        %add3A_65 = arith.addi %mul3A_37, %add3A_64 : i32
        %scan3A_66 = arith.constant 0 : i32
        %scan3A_67 = arith.constant 0 : i32
        %scan3A_68 = arith.constant 8 : i32
        %scan3A_69 = arith.addi %scan3A_67, %scan3A_68 : i32
        %scan3A_70 = arith.constant 1 : i32
        %scan3A_71 = scf.for %scan3A_74 = %scan3A_67 to %scan3A_69 step %scan3A_70 iter_args(%scan3A_75 = %scan3A_66) -> (i32)  : i32 {
          %mul3A_76 = arith.constant 128 : i32
          %mul3A_77 = arith.muli %add3A_65, %mul3A_76 : i32
          %mul3A_78 = arith.constant 16 : i32
          %mul3A_79 = arith.muli %scan3A_74, %mul3A_78 : i32
          %add3A_80 = arith.addi %mul3A_77, %mul3A_79 : i32
          %get3A = arith.index_cast %add3A_80 : i32 to index
          %get3A_81 = tpu.vector_load %arg10[%get3A] {strides = array<i32>} : memref<2560xi32, #tpu.memory_space<vmem>>, vector<16xi32>,
          %get3A_82 = vector.shape_cast %get3A_81 : vector<16xi32> to vector<16xi32>
          %mul3A_83 = arith.constant 16 : i32
          %mul3A_84 = arith.muli %scan3A_74, %mul3A_83 : i32
          %swap3A = arith.index_cast %mul3A_84 : i32 to index
          %swap3A_85 = tpu.vector_load %arg11[%swap3A] {strides = array<i32>} : memref<128xi32, #tpu.memory_space<vmem>>, vector<16xi32>,
          %swap3A_86 = vector.shape_cast %swap3A_85 : vector<16xi32> to vector<16xi32>
          %swap3A_87 = vector.shape_cast %get3A_82 : vector<16xi32> to vector<16xi32>
          tpu.vector_store %arg11[%swap3A], %swap3A_87 {strides = array<i32>} : memref<128xi32, #tpu.memory_space<vmem>>, vector<16xi32>,
          %scan3A_88 = arith.constant 0 : i32
          scf.yield %scan3A_88 : i32
        }
        %scan3A_72 = arith.constant 8 : i32
        "tpu.region"() ({
          %run_scoped3A = tpu.sem_alloc : memref<!tpu.dma_semaphore, #tpu.memory_space<semaphore_mem>>
          %dma_start3A_74 = arith.constant 0 : i32
          %dma_start3A_75 = arith.constant 0 : i32
          %dma_start3A_76 = tpu.memref_slice %arg8[%dma_start3A_74, %dma_start3A_75] : memref<10240x64xf32, #tpu.memory_space<vmem_shared>> -> memref<10240x64xf32, #tpu.memory_space<vmem_shared>>
          tpu.enqueue_indirect_dma source(%arg13 : memref<128x64xf32, #tpu.memory_space<vmem>>) target(%dma_start3A_76 : memref<10240x64xf32, #tpu.memory_space<vmem_shared>>) offsets(%arg11 : memref<128xi32, #tpu.memory_space<vmem>>) semaphore(%run_scoped3A : memref<!tpu.dma_semaphore, #tpu.memory_space<semaphore_mem>>) {add = true}
          %dma_wait3A_77 = arith.constant 0 : i32
          %dma_wait3A_78 = arith.constant 0 : i32
          %dma_wait3A_79 = tpu.memref_slice %arg8[%dma_wait3A_77, %dma_wait3A_78] : memref<10240x64xf32, #tpu.memory_space<vmem_shared>> -> memref<10240x64xf32, #tpu.memory_space<vmem_shared>>
          tpu.wait_indirect_dma semaphore(%run_scoped3A : memref<!tpu.dma_semaphore, #tpu.memory_space<semaphore_mem>>) src(%arg13 : memref<128x64xf32, #tpu.memory_space<vmem>>) dst(%dma_wait3A_79 : memref<10240x64xf32, #tpu.memory_space<vmem_shared>>)
          tpu.yield
        }) : () -> ()
        %scan3A_73 = arith.constant 0 : i32
        scf.yield %scan3A_73 : i32
      }
      %scan3A_32 = arith.constant 10 : i32
      %scan3A_33 = arith.constant 0 : i32
      scf.yield %scan3A_33 : i32
    }
    %scan3A_12 = arith.constant 8 : i32
    %barrier3A_13 = arith.constant 0 : index
    tpu.barrier barrier_id(%barrier3A_13)
    %mul3A_14 = arith.constant 640 : i32
    %mul3A_15 = arith.muli %arg1, %mul3A_14 : i32
    %mul3A_16 = arith.constant 640 : i32
    %mul3A_17 = arith.muli %arg1, %mul3A_16 : i32
    "tpu.region"() ({
      %run_scoped3A = tpu.sem_alloc : memref<!tpu.dma_semaphore, #tpu.memory_space<semaphore_mem>>
      %dma_start3A = arith.constant 0 : i32
      %dma_start3A_18 = tpu.memref_slice %arg6[%arg0, %mul3A_17, %dma_start3A] : memref<2x10240x64xf32, #tpu.memory_space<hbm>> -> memref<1x640x64xf32, #tpu.memory_space<hbm>>
      %dma_start3A_19 = tpu.memref_squeeze %dma_start3A_18 : memref<1x640x64xf32, #tpu.memory_space<hbm>> -> memref<640x64xf32, #tpu.memory_space<hbm>>
      %dma_start3A_20 = arith.constant 0 : i32
      %dma_start3A_21 = tpu.memref_slice %arg8[%mul3A_15, %dma_start3A_20] : memref<10240x64xf32, #tpu.memory_space<vmem_shared>> -> memref<640x64xf32, #tpu.memory_space<vmem_shared>>
      tpu.enqueue_dma source(%dma_start3A_21 : memref<640x64xf32, #tpu.memory_space<vmem_shared>>) target(%dma_start3A_19 : memref<640x64xf32, #tpu.memory_space<hbm>>) target_semaphore(%run_scoped3A : memref<!tpu.dma_semaphore, #tpu.memory_space<semaphore_mem>>)
      %dma_wait3A = arith.constant 0 : i32
      %dma_wait3A_22 = tpu.memref_slice %arg6[%arg0, %mul3A_17, %dma_wait3A] : memref<2x10240x64xf32, #tpu.memory_space<hbm>> -> memref<1x640x64xf32, #tpu.memory_space<hbm>>
      %dma_wait3A_23 = tpu.memref_squeeze %dma_wait3A_22 : memref<1x640x64xf32, #tpu.memory_space<hbm>> -> memref<640x64xf32, #tpu.memory_space<hbm>>
      %dma_wait3A_24 = arith.constant 0 : i32
      %dma_wait3A_25 = tpu.memref_slice %arg8[%mul3A_15, %dma_wait3A_24] : memref<10240x64xf32, #tpu.memory_space<vmem_shared>> -> memref<640x64xf32, #tpu.memory_space<vmem_shared>>
      tpu.wait_dma2 semaphore(%run_scoped3A : memref<!tpu.dma_semaphore, #tpu.memory_space<semaphore_mem>>) src(%dma_wait3A_25 : memref<640x64xf32, #tpu.memory_space<vmem_shared>>) dst(%dma_wait3A_23 : memref<640x64xf32, #tpu.memory_space<hbm>>)
      tpu.yield
    }) : () -> ()
    return
  }
}

#map = affine_map<(d0, d1) -> (0)>
#map1 = affine_map<(d0, d1) -> (0, 0)>
#map2 = affine_map<(d0, d1) -> (0, 0, 0)>
module attributes {stable_mosaic.version = 14 : i64} {
  func.func @_deg_body(%arg0: i32, %arg1: i32, %arg2: memref<327680xi32, #tpu.memory_space<hbm>>, %arg3: memref<128x128xf32, #tpu.memory_space<hbm>>, %arg4: memref<640x128xf32, #tpu.memory_space<hbm>>, %arg5: memref<2x10240x128xf32, #tpu.memory_space<hbm>>, %arg6: memref<10240x128xf32, #tpu.memory_space<vmem_shared>>, %arg7: memref<128x128xf32, #tpu.memory_space<vmem>>, %arg8: memref<10240xi32, #tpu.memory_space<vmem>>, %arg9: memref<128xi32, #tpu.memory_space<vmem>>, %arg10: memref<128xi32, #tpu.memory_space<vmem>>, %arg11: memref<!tpu.dma_semaphore, #tpu.memory_space<semaphore_mem>>, %arg12: memref<!tpu.dma_semaphore, #tpu.memory_space<semaphore_mem>>) attributes {dimension_semantics = [#tpu.dimension_semantics<core_parallel>, #tpu.dimension_semantics<subcore_parallel>], iteration_bounds = array<i64: 2, 16>, scalar_prefetch = 0 : i64, scratch_operands = 7 : i64, tpu.core_type = #tpu.core_type<sc_vector_subcore>, window_params = [{transform_indices = #map}, {transform_indices = #map1}, {transform_indices = #map1}, {transform_indices = #map2}]} {
    "tpu.region"() ({
      %run_scoped3A = tpu.sem_alloc : memref<!tpu.dma_semaphore, #tpu.memory_space<semaphore_mem>>
      tpu.enqueue_dma source(%arg3 : memref<128x128xf32, #tpu.memory_space<hbm>>) target(%arg7 : memref<128x128xf32, #tpu.memory_space<vmem>>) target_semaphore(%run_scoped3A : memref<!tpu.dma_semaphore, #tpu.memory_space<semaphore_mem>>)
      tpu.wait_dma2 semaphore(%run_scoped3A : memref<!tpu.dma_semaphore, #tpu.memory_space<semaphore_mem>>) src(%arg3 : memref<128x128xf32, #tpu.memory_space<hbm>>) dst(%arg7 : memref<128x128xf32, #tpu.memory_space<vmem>>)
      tpu.yield
    }) : () -> ()
    %mul3A = arith.constant 640 : i32
    %mul3A_0 = arith.muli %arg1, %mul3A : i32
    "tpu.region"() ({
      %run_scoped3A = tpu.sem_alloc : memref<!tpu.dma_semaphore, #tpu.memory_space<semaphore_mem>>
      %dma_start3A_25 = arith.constant 0 : i32
      %dma_start3A_26 = tpu.memref_slice %arg6[%mul3A_0, %dma_start3A_25] : memref<10240x128xf32, #tpu.memory_space<vmem_shared>> -> memref<640x128xf32, #tpu.memory_space<vmem_shared>>
      tpu.enqueue_dma source(%arg4 : memref<640x128xf32, #tpu.memory_space<hbm>>) target(%dma_start3A_26 : memref<640x128xf32, #tpu.memory_space<vmem_shared>>) target_semaphore(%run_scoped3A : memref<!tpu.dma_semaphore, #tpu.memory_space<semaphore_mem>>)
      %dma_wait3A = arith.constant 0 : i32
      %dma_wait3A_27 = tpu.memref_slice %arg6[%mul3A_0, %dma_wait3A] : memref<10240x128xf32, #tpu.memory_space<vmem_shared>> -> memref<640x128xf32, #tpu.memory_space<vmem_shared>>
      tpu.wait_dma2 semaphore(%run_scoped3A : memref<!tpu.dma_semaphore, #tpu.memory_space<semaphore_mem>>) src(%arg4 : memref<640x128xf32, #tpu.memory_space<hbm>>) dst(%dma_wait3A_27 : memref<640x128xf32, #tpu.memory_space<vmem_shared>>)
      tpu.yield
    }) : () -> ()
    %mul3A_1 = arith.constant 16 : i32
    %mul3A_2 = arith.muli %arg0, %mul3A_1 : i32
    %add3A = arith.addi %mul3A_2, %arg1 : i32
    %mul3A_3 = arith.constant 10240 : i32
    %mul3A_4 = arith.muli %add3A, %mul3A_3 : i32
    "tpu.region"() ({
      %run_scoped3A = tpu.sem_alloc : memref<!tpu.dma_semaphore, #tpu.memory_space<semaphore_mem>>
      %dma_start3A_25 = tpu.memref_slice %arg2[%mul3A_4] : memref<327680xi32, #tpu.memory_space<hbm>> -> memref<10240xi32, #tpu.memory_space<hbm>>
      %dma_start3A_26 = tpu.memref_slice %arg2[%mul3A_4] : memref<327680xi32, #tpu.memory_space<hbm>> -> memref<10240xi32, #tpu.memory_space<hbm>>
      tpu.enqueue_dma source(%dma_start3A_26 : memref<10240xi32, #tpu.memory_space<hbm>>) target(%arg8 : memref<10240xi32, #tpu.memory_space<vmem>>) target_semaphore(%run_scoped3A : memref<!tpu.dma_semaphore, #tpu.memory_space<semaphore_mem>>)
      %dma_wait3A = tpu.memref_slice %arg2[%mul3A_4] : memref<327680xi32, #tpu.memory_space<hbm>> -> memref<10240xi32, #tpu.memory_space<hbm>>
      %dma_wait3A_27 = tpu.memref_slice %arg2[%mul3A_4] : memref<327680xi32, #tpu.memory_space<hbm>> -> memref<10240xi32, #tpu.memory_space<hbm>>
      tpu.wait_dma2 semaphore(%run_scoped3A : memref<!tpu.dma_semaphore, #tpu.memory_space<semaphore_mem>>) src(%dma_wait3A_27 : memref<10240xi32, #tpu.memory_space<hbm>>) dst(%arg8 : memref<10240xi32, #tpu.memory_space<vmem>>)
      tpu.yield
    }) : () -> ()
    %barrier3A = arith.constant 0 : index
    tpu.barrier barrier_id(%barrier3A)
    %scan3A = arith.constant 0 : i32
    %scan3A_5 = arith.constant 0 : i32
    %scan3A_6 = arith.constant 8 : i32
    %scan3A_7 = arith.addi %scan3A_5, %scan3A_6 : i32
    %scan3A_8 = arith.constant 1 : i32
    %scan3A_9 = scf.for %scan3A_25 = %scan3A_5 to %scan3A_7 step %scan3A_8 iter_args(%scan3A_26 = %scan3A) -> (i32)  : i32 {
      %mul3A_27 = arith.constant 16 : i32
      %mul3A_28 = arith.muli %scan3A_25, %mul3A_27 : i32
      %add3A_29 = arith.constant 0 : i32
      %add3A_30 = arith.addi %add3A_29, %mul3A_28 : i32
      %get3A = arith.index_cast %add3A_30 : i32 to index
      %get3A_31 = tpu.vector_load %arg8[%get3A] {strides = array<i32>} : memref<10240xi32, #tpu.memory_space<vmem>>, vector<16xi32>,
      %get3A_32 = vector.shape_cast %get3A_31 : vector<16xi32> to vector<16xi32>
      %mul3A_33 = arith.constant 16 : i32
      %mul3A_34 = arith.muli %scan3A_25, %mul3A_33 : i32
      %swap3A = arith.index_cast %mul3A_34 : i32 to index
      %swap3A_35 = tpu.vector_load %arg9[%swap3A] {strides = array<i32>} : memref<128xi32, #tpu.memory_space<vmem>>, vector<16xi32>,
      %swap3A_36 = vector.shape_cast %swap3A_35 : vector<16xi32> to vector<16xi32>
      %swap3A_37 = vector.shape_cast %get3A_32 : vector<16xi32> to vector<16xi32>
      tpu.vector_store %arg9[%swap3A], %swap3A_37 {strides = array<i32>} : memref<128xi32, #tpu.memory_space<vmem>>, vector<16xi32>,
      %scan3A_38 = arith.constant 0 : i32
      scf.yield %scan3A_38 : i32
    }
    %scan3A_10 = arith.constant 8 : i32
    %dma_start3A = arith.constant 0 : i32
    %dma_start3A_11 = arith.constant 0 : i32
    %dma_start3A_12 = tpu.memref_slice %arg6[%dma_start3A, %dma_start3A_11] : memref<10240x128xf32, #tpu.memory_space<vmem_shared>> -> memref<10240x128xf32, #tpu.memory_space<vmem_shared>>
    tpu.enqueue_indirect_dma source(%arg7 : memref<128x128xf32, #tpu.memory_space<vmem>>) target(%dma_start3A_12 : memref<10240x128xf32, #tpu.memory_space<vmem_shared>>) offsets(%arg9 : memref<128xi32, #tpu.memory_space<vmem>>) semaphore(%arg11 : memref<!tpu.dma_semaphore, #tpu.memory_space<semaphore_mem>>) {add = true}
    %scan3A_13 = arith.constant 0 : i32
    %scan3A_14 = arith.constant 0 : i32
    %scan3A_15 = arith.constant 40 : i32
    %scan3A_16 = arith.addi %scan3A_14, %scan3A_15 : i32
    %scan3A_17 = arith.constant 1 : i32
    %scan3A_18 = scf.for %scan3A_25 = %scan3A_14 to %scan3A_16 step %scan3A_17 iter_args(%scan3A_26 = %scan3A_13) -> (i32)  : i32 {
      %mul3A_27 = arith.constant 2 : i32
      %mul3A_28 = arith.muli %scan3A_25, %mul3A_27 : i32
      %add3A_29 = arith.constant 1 : i32
      %add3A_30 = arith.addi %mul3A_28, %add3A_29 : i32
      %scan3A_31 = arith.constant 0 : i32
      %scan3A_32 = arith.constant 0 : i32
      %scan3A_33 = arith.constant 8 : i32
      %scan3A_34 = arith.addi %scan3A_32, %scan3A_33 : i32
      %scan3A_35 = arith.constant 1 : i32
      %scan3A_36 = scf.for %scan3A_49 = %scan3A_32 to %scan3A_34 step %scan3A_35 iter_args(%scan3A_50 = %scan3A_31) -> (i32)  : i32 {
        %mul3A_51 = arith.constant 128 : i32
        %mul3A_52 = arith.muli %add3A_30, %mul3A_51 : i32
        %mul3A_53 = arith.constant 16 : i32
        %mul3A_54 = arith.muli %scan3A_49, %mul3A_53 : i32
        %add3A_55 = arith.addi %mul3A_52, %mul3A_54 : i32
        %get3A = arith.index_cast %add3A_55 : i32 to index
        %get3A_56 = tpu.vector_load %arg8[%get3A] {strides = array<i32>} : memref<10240xi32, #tpu.memory_space<vmem>>, vector<16xi32>,
        %get3A_57 = vector.shape_cast %get3A_56 : vector<16xi32> to vector<16xi32>
        %mul3A_58 = arith.constant 16 : i32
        %mul3A_59 = arith.muli %scan3A_49, %mul3A_58 : i32
        %swap3A = arith.index_cast %mul3A_59 : i32 to index
        %swap3A_60 = tpu.vector_load %arg10[%swap3A] {strides = array<i32>} : memref<128xi32, #tpu.memory_space<vmem>>, vector<16xi32>,
        %swap3A_61 = vector.shape_cast %swap3A_60 : vector<16xi32> to vector<16xi32>
        %swap3A_62 = vector.shape_cast %get3A_57 : vector<16xi32> to vector<16xi32>
        tpu.vector_store %arg10[%swap3A], %swap3A_62 {strides = array<i32>} : memref<128xi32, #tpu.memory_space<vmem>>, vector<16xi32>,
        %scan3A_63 = arith.constant 0 : i32
        scf.yield %scan3A_63 : i32
      }
      %scan3A_37 = arith.constant 8 : i32
      %dma_start3A_38 = arith.constant 0 : i32
      %dma_start3A_39 = arith.constant 0 : i32
      %dma_start3A_40 = tpu.memref_slice %arg6[%dma_start3A_38, %dma_start3A_39] : memref<10240x128xf32, #tpu.memory_space<vmem_shared>> -> memref<10240x128xf32, #tpu.memory_space<vmem_shared>>
      tpu.enqueue_indirect_dma source(%arg7 : memref<128x128xf32, #tpu.memory_space<vmem>>) target(%dma_start3A_40 : memref<10240x128xf32, #tpu.memory_space<vmem_shared>>) offsets(%arg10 : memref<128xi32, #tpu.memory_space<vmem>>) semaphore(%arg12 : memref<!tpu.dma_semaphore, #tpu.memory_space<semaphore_mem>>) {add = true}
      %dma_wait3A = arith.constant 0 : i32
      %dma_wait3A_41 = arith.constant 0 : i32
      %dma_wait3A_42 = tpu.memref_slice %arg6[%dma_wait3A, %dma_wait3A_41] : memref<10240x128xf32, #tpu.memory_space<vmem_shared>> -> memref<10240x128xf32, #tpu.memory_space<vmem_shared>>
      tpu.wait_indirect_dma semaphore(%arg11 : memref<!tpu.dma_semaphore, #tpu.memory_space<semaphore_mem>>) src(%arg7 : memref<128x128xf32, #tpu.memory_space<vmem>>) dst(%dma_wait3A_42 : memref<10240x128xf32, #tpu.memory_space<vmem_shared>>)
      %lt3A = arith.constant 39 : i32
      %lt3A_43 = arith.cmpi slt, %scan3A_25, %lt3A : i32
      %convert_element_type3A = arith.extui %lt3A_43 : i1 to i32
      %cond3A = arith.constant 0 : i32
      %cond3A_44 = arith.cmpi ne, %convert_element_type3A, %cond3A : i32
      scf.if %cond3A_44 {
        %add3A_49 = arith.constant 2 : i32
        %add3A_50 = arith.addi %mul3A_28, %add3A_49 : i32
        %scan3A_51 = arith.constant 0 : i32
        %scan3A_52 = arith.constant 0 : i32
        %scan3A_53 = arith.constant 8 : i32
        %scan3A_54 = arith.addi %scan3A_52, %scan3A_53 : i32
        %scan3A_55 = arith.constant 1 : i32
        %scan3A_56 = scf.for %scan3A_61 = %scan3A_52 to %scan3A_54 step %scan3A_55 iter_args(%scan3A_62 = %scan3A_51) -> (i32)  : i32 {
          %mul3A_63 = arith.constant 128 : i32
          %mul3A_64 = arith.muli %add3A_50, %mul3A_63 : i32
          %mul3A_65 = arith.constant 16 : i32
          %mul3A_66 = arith.muli %scan3A_61, %mul3A_65 : i32
          %add3A_67 = arith.addi %mul3A_64, %mul3A_66 : i32
          %get3A = arith.index_cast %add3A_67 : i32 to index
          %get3A_68 = tpu.vector_load %arg8[%get3A] {strides = array<i32>} : memref<10240xi32, #tpu.memory_space<vmem>>, vector<16xi32>,
          %get3A_69 = vector.shape_cast %get3A_68 : vector<16xi32> to vector<16xi32>
          %mul3A_70 = arith.constant 16 : i32
          %mul3A_71 = arith.muli %scan3A_61, %mul3A_70 : i32
          %swap3A = arith.index_cast %mul3A_71 : i32 to index
          %swap3A_72 = tpu.vector_load %arg9[%swap3A] {strides = array<i32>} : memref<128xi32, #tpu.memory_space<vmem>>, vector<16xi32>,
          %swap3A_73 = vector.shape_cast %swap3A_72 : vector<16xi32> to vector<16xi32>
          %swap3A_74 = vector.shape_cast %get3A_69 : vector<16xi32> to vector<16xi32>
          tpu.vector_store %arg9[%swap3A], %swap3A_74 {strides = array<i32>} : memref<128xi32, #tpu.memory_space<vmem>>, vector<16xi32>,
          %scan3A_75 = arith.constant 0 : i32
          scf.yield %scan3A_75 : i32
        }
        %scan3A_57 = arith.constant 8 : i32
        %dma_start3A_58 = arith.constant 0 : i32
        %dma_start3A_59 = arith.constant 0 : i32
        %dma_start3A_60 = tpu.memref_slice %arg6[%dma_start3A_58, %dma_start3A_59] : memref<10240x128xf32, #tpu.memory_space<vmem_shared>> -> memref<10240x128xf32, #tpu.memory_space<vmem_shared>>
        tpu.enqueue_indirect_dma source(%arg7 : memref<128x128xf32, #tpu.memory_space<vmem>>) target(%dma_start3A_60 : memref<10240x128xf32, #tpu.memory_space<vmem_shared>>) offsets(%arg9 : memref<128xi32, #tpu.memory_space<vmem>>) semaphore(%arg11 : memref<!tpu.dma_semaphore, #tpu.memory_space<semaphore_mem>>) {add = true}
      } else {
      }
      %dma_wait3A_45 = arith.constant 0 : i32
      %dma_wait3A_46 = arith.constant 0 : i32
      %dma_wait3A_47 = tpu.memref_slice %arg6[%dma_wait3A_45, %dma_wait3A_46] : memref<10240x128xf32, #tpu.memory_space<vmem_shared>> -> memref<10240x128xf32, #tpu.memory_space<vmem_shared>>
      tpu.wait_indirect_dma semaphore(%arg12 : memref<!tpu.dma_semaphore, #tpu.memory_space<semaphore_mem>>) src(%arg7 : memref<128x128xf32, #tpu.memory_space<vmem>>) dst(%dma_wait3A_47 : memref<10240x128xf32, #tpu.memory_space<vmem_shared>>)
      %scan3A_48 = arith.constant 0 : i32
      scf.yield %scan3A_48 : i32
    }
    %scan3A_19 = arith.constant 40 : i32
    %barrier3A_20 = arith.constant 0 : index
    tpu.barrier barrier_id(%barrier3A_20)
    %mul3A_21 = arith.constant 640 : i32
    %mul3A_22 = arith.muli %arg1, %mul3A_21 : i32
    %mul3A_23 = arith.constant 640 : i32
    %mul3A_24 = arith.muli %arg1, %mul3A_23 : i32
    "tpu.region"() ({
      %run_scoped3A = tpu.sem_alloc : memref<!tpu.dma_semaphore, #tpu.memory_space<semaphore_mem>>
      %dma_start3A_25 = arith.constant 0 : i32
      %dma_start3A_26 = tpu.memref_slice %arg5[%arg0, %mul3A_24, %dma_start3A_25] : memref<2x10240x128xf32, #tpu.memory_space<hbm>> -> memref<1x640x128xf32, #tpu.memory_space<hbm>>
      %dma_start3A_27 = tpu.memref_squeeze %dma_start3A_26 : memref<1x640x128xf32, #tpu.memory_space<hbm>> -> memref<640x128xf32, #tpu.memory_space<hbm>>
      %dma_start3A_28 = arith.constant 0 : i32
      %dma_start3A_29 = tpu.memref_slice %arg6[%mul3A_22, %dma_start3A_28] : memref<10240x128xf32, #tpu.memory_space<vmem_shared>> -> memref<640x128xf32, #tpu.memory_space<vmem_shared>>
      tpu.enqueue_dma source(%dma_start3A_29 : memref<640x128xf32, #tpu.memory_space<vmem_shared>>) target(%dma_start3A_27 : memref<640x128xf32, #tpu.memory_space<hbm>>) target_semaphore(%run_scoped3A : memref<!tpu.dma_semaphore, #tpu.memory_space<semaphore_mem>>)
      %dma_wait3A = arith.constant 0 : i32
      %dma_wait3A_30 = tpu.memref_slice %arg5[%arg0, %mul3A_24, %dma_wait3A] : memref<2x10240x128xf32, #tpu.memory_space<hbm>> -> memref<1x640x128xf32, #tpu.memory_space<hbm>>
      %dma_wait3A_31 = tpu.memref_squeeze %dma_wait3A_30 : memref<1x640x128xf32, #tpu.memory_space<hbm>> -> memref<640x128xf32, #tpu.memory_space<hbm>>
      %dma_wait3A_32 = arith.constant 0 : i32
      %dma_wait3A_33 = tpu.memref_slice %arg6[%mul3A_22, %dma_wait3A_32] : memref<10240x128xf32, #tpu.memory_space<vmem_shared>> -> memref<640x128xf32, #tpu.memory_space<vmem_shared>>
      tpu.wait_dma2 semaphore(%run_scoped3A : memref<!tpu.dma_semaphore, #tpu.memory_space<semaphore_mem>>) src(%dma_wait3A_33 : memref<640x128xf32, #tpu.memory_space<vmem_shared>>) dst(%dma_wait3A_31 : memref<640x128xf32, #tpu.memory_space<hbm>>)
      tpu.yield
    }) : () -> ()
    return
  }
}

module attributes {stable_mosaic.version = 14 : i64} {
  func.func @_b1_body(%arg0: i32, %arg1: memref<1024x128xf32, #tpu.memory_space<vmem>>, %arg2: memref<128x128xf32, #tpu.memory_space<vmem>>, %arg3: memref<1024x128xf32, #tpu.memory_space<vmem>>, %arg4: memref<1024x128xf32, #tpu.memory_space<vmem>>, %arg5: memref<2x1024x64xf32, #tpu.memory_space<vmem>>) attributes {dimension_semantics = [#tpu.dimension_semantics<arbitrary>], iteration_bounds = array<i64: 10>, scalar_prefetch = 0 : i64, scratch_operands = 0 : i64, tpu.core_type = #tpu.core_type<tc>, window_params = [{transform_indices = @transform_0, window_bounds = array<i64: 1024, 128>}, {pipeline_mode = #tpu.pipeline_mode<synchronous>, transform_indices = @transform_1, window_bounds = array<i64: 128, 128>}, {transform_indices = @transform_2, window_bounds = array<i64: 1024, 128>}, {transform_indices = @transform_3, window_bounds = array<i64: 1024, 128>}, {transform_indices = @transform_4, window_bounds = array<i64: 2, 1024, 64>}]} {
    %get3A = arith.constant 0 : index
    %get3A_0 = arith.constant 0 : index
    %get3A_1 = vector.load %arg3[%get3A, %get3A_0] : memref<1024x128xf32, #tpu.memory_space<vmem>>, vector<1024x1xf32>
    %get3A_2 = arith.constant 0 : index
    %get3A_3 = arith.constant 0 : index
    %get3A_4 = vector.load %arg4[%get3A_2, %get3A_3] : memref<1024x128xf32, #tpu.memory_space<vmem>>, vector<1024x1xf32>
    %add3A = arith.addf %get3A_1, %get3A_4 : vector<1024x1xf32>
    %add3A_5 = arith.constant 1.000000e+00 : f32
    %add3A_6 = vector.broadcast %add3A_5 : f32 to vector<1024x1xf32>
    %add3A_7 = arith.addf %add3A, %add3A_6 : vector<1024x1xf32>
    %rsqrt3A = math.rsqrt %add3A_7 : vector<1024x1xf32>
    %get3A_8 = arith.constant 0 : index
    %get3A_9 = arith.constant 0 : index
    %get3A_10 = vector.load %arg1[%get3A_8, %get3A_9] : memref<1024x128xf32, #tpu.memory_space<vmem>>, vector<1024x128xf32>
    %get3A_11 = arith.constant 0 : index
    %get3A_12 = arith.constant 0 : index
    %get3A_13 = vector.load %arg2[%get3A_11, %get3A_12] : memref<128x128xf32, #tpu.memory_space<vmem>>, vector<128x128xf32>
    %dot_general3A = arith.constant dense<0.000000e+00> : vector<1024x128xf32>
    %dot_general3A_14 = tpu.matmul %get3A_10, %get3A_13, %dot_general3A {dimension_numbers = #tpu.dot_dimension_numbers<[1], [1], [0], [0], [0, 0, 1, 0], [], []>, transpose_lhs_hint = false} : vector<1024x128xf32>, vector<128x128xf32>, vector<1024x128xf32> -> vector<1024x128xf32>
    %mul3A = vector.broadcast %rsqrt3A : vector<1024x1xf32> to vector<1024x128xf32>
    %mul3A_15 = arith.mulf %mul3A, %dot_general3A_14 : vector<1024x128xf32>
    %slice3A = vector.extract_strided_slice %mul3A_15 {offsets = [0, 0], sizes = [1024, 64], strides = [1, 1]} : vector<1024x128xf32> to vector<1024x64xf32>
    %swap3A = arith.constant 0 : index
    %swap3A_16 = arith.constant 0 : index
    %swap3A_17 = arith.constant 0 : index
    %swap3A_18 = vector.load %arg5[%swap3A, %swap3A_16, %swap3A_17] : memref<2x1024x64xf32, #tpu.memory_space<vmem>>, vector<1x1024x64xf32>
    %swap3A_19 = vector.shape_cast %swap3A_18 : vector<1x1024x64xf32> to vector<1024x64xf32>
    %swap3A_20 = vector.shape_cast %slice3A : vector<1024x64xf32> to vector<1x1024x64xf32>
    tpu.vector_store %arg5[%swap3A, %swap3A_16, %swap3A_17], %swap3A_20 {strides = array<i32>} : memref<2x1024x64xf32, #tpu.memory_space<vmem>>, vector<1x1024x64xf32>,
    %slice3A_21 = vector.extract_strided_slice %mul3A_15 {offsets = [0, 64], sizes = [1024, 64], strides = [1, 1]} : vector<1024x128xf32> to vector<1024x64xf32>
    %swap3A_22 = arith.constant 1 : index
    %swap3A_23 = arith.constant 0 : index
    %swap3A_24 = arith.constant 0 : index
    %swap3A_25 = vector.load %arg5[%swap3A_22, %swap3A_23, %swap3A_24] : memref<2x1024x64xf32, #tpu.memory_space<vmem>>, vector<1x1024x64xf32>
    %swap3A_26 = vector.shape_cast %swap3A_25 : vector<1x1024x64xf32> to vector<1024x64xf32>
    %swap3A_27 = vector.shape_cast %slice3A_21 : vector<1024x64xf32> to vector<1x1024x64xf32>
    tpu.vector_store %arg5[%swap3A_22, %swap3A_23, %swap3A_24], %swap3A_27 {strides = array<i32>} : memref<2x1024x64xf32, #tpu.memory_space<vmem>>, vector<1x1024x64xf32>,
    return
  }
  func.func @transform_0(%arg0: i32) -> (i32, i32) {
    %c0_i32 = arith.constant 0 : i32
    %c0_i32_0 = arith.constant 0 : i32
    return %arg0, %c0_i32 : i32, i32
  }
  func.func @transform_1(%arg0: i32) -> (i32, i32) {
    %c0_i32 = arith.constant 0 : i32
    %c0_i32_0 = arith.constant 0 : i32
    %c0_i32_1 = arith.constant 0 : i32
    return %c0_i32, %c0_i32_0 : i32, i32
  }
  func.func @transform_2(%arg0: i32) -> (i32, i32) {
    %c0_i32 = arith.constant 0 : i32
    %c0_i32_0 = arith.constant 0 : i32
    return %arg0, %c0_i32 : i32, i32
  }
  func.func @transform_3(%arg0: i32) -> (i32, i32) {
    %c0_i32 = arith.constant 0 : i32
    %c0_i32_0 = arith.constant 0 : i32
    return %arg0, %c0_i32 : i32, i32
  }
  func.func @transform_4(%arg0: i32) -> (i32, i32, i32) {
    %c0_i32 = arith.constant 0 : i32
    %c0_i32_0 = arith.constant 0 : i32
    %c0_i32_1 = arith.constant 0 : i32
    return %c0_i32, %arg0, %c0_i32_0 : i32, i32, i32
  }
}

module attributes {stable_mosaic.version = 14 : i64} {
  func.func @_b2_body(%arg0: i32, %arg1: memref<2x1024x64xf32, #tpu.memory_space<vmem>>, %arg2: memref<2x1024x64xf32, #tpu.memory_space<vmem>>, %arg3: memref<1024x128xf32, #tpu.memory_space<vmem>>, %arg4: memref<1024x128xf32, #tpu.memory_space<vmem>>, %arg5: memref<128x128xf32, #tpu.memory_space<vmem>>, %arg6: memref<1x128xf32, #tpu.memory_space<vmem>>, %arg7: memref<2x1024x64xf32, #tpu.memory_space<vmem>>) attributes {dimension_semantics = [#tpu.dimension_semantics<arbitrary>], iteration_bounds = array<i64: 10>, scalar_prefetch = 0 : i64, scratch_operands = 0 : i64, tpu.core_type = #tpu.core_type<tc>, window_params = [{transform_indices = @transform_0, window_bounds = array<i64: 2, 1024, 64>}, {transform_indices = @transform_1, window_bounds = array<i64: 2, 1024, 64>}, {transform_indices = @transform_2, window_bounds = array<i64: 1024, 128>}, {transform_indices = @transform_3, window_bounds = array<i64: 1024, 128>}, {pipeline_mode = #tpu.pipeline_mode<synchronous>, transform_indices = @transform_4, window_bounds = array<i64: 128, 128>}, {pipeline_mode = #tpu.pipeline_mode<synchronous>, transform_indices = @transform_5, window_bounds = array<i64: 1, 128>}, {transform_indices = @transform_6, window_bounds = array<i64: 2, 1024, 64>}]} {
    %get3A = arith.constant 0 : index
    %get3A_0 = arith.constant 0 : index
    %get3A_1 = vector.load %arg3[%get3A, %get3A_0] : memref<1024x128xf32, #tpu.memory_space<vmem>>, vector<1024x1xf32>
    %get3A_2 = arith.constant 0 : index
    %get3A_3 = arith.constant 0 : index
    %get3A_4 = vector.load %arg4[%get3A_2, %get3A_3] : memref<1024x128xf32, #tpu.memory_space<vmem>>, vector<1024x1xf32>
    %add3A = arith.addf %get3A_1, %get3A_4 : vector<1024x1xf32>
    %add3A_5 = arith.constant 1.000000e+00 : f32
    %add3A_6 = vector.broadcast %add3A_5 : f32 to vector<1024x1xf32>
    %add3A_7 = arith.addf %add3A, %add3A_6 : vector<1024x1xf32>
    %rsqrt3A = math.rsqrt %add3A_7 : vector<1024x1xf32>
    %get3A_8 = arith.constant 0 : index
    %get3A_9 = arith.constant 0 : index
    %get3A_10 = arith.constant 0 : index
    %get3A_11 = vector.load %arg1[%get3A_8, %get3A_9, %get3A_10] : memref<2x1024x64xf32, #tpu.memory_space<vmem>>, vector<1x1024x64xf32>
    %get3A_12 = vector.shape_cast %get3A_11 : vector<1x1024x64xf32> to vector<1024x64xf32>
    %get3A_13 = arith.constant 0 : index
    %get3A_14 = arith.constant 0 : index
    %get3A_15 = arith.constant 0 : index
    %get3A_16 = vector.load %arg2[%get3A_13, %get3A_14, %get3A_15] : memref<2x1024x64xf32, #tpu.memory_space<vmem>>, vector<1x1024x64xf32>
    %get3A_17 = vector.shape_cast %get3A_16 : vector<1x1024x64xf32> to vector<1024x64xf32>
    %add3A_18 = arith.addf %get3A_12, %get3A_17 : vector<1024x64xf32>
    %get3A_19 = arith.constant 1 : index
    %get3A_20 = arith.constant 0 : index
    %get3A_21 = arith.constant 0 : index
    %get3A_22 = vector.load %arg1[%get3A_19, %get3A_20, %get3A_21] : memref<2x1024x64xf32, #tpu.memory_space<vmem>>, vector<1x1024x64xf32>
    %get3A_23 = vector.shape_cast %get3A_22 : vector<1x1024x64xf32> to vector<1024x64xf32>
    %get3A_24 = arith.constant 1 : index
    %get3A_25 = arith.constant 0 : index
    %get3A_26 = arith.constant 0 : index
    %get3A_27 = vector.load %arg2[%get3A_24, %get3A_25, %get3A_26] : memref<2x1024x64xf32, #tpu.memory_space<vmem>>, vector<1x1024x64xf32>
    %get3A_28 = vector.shape_cast %get3A_27 : vector<1x1024x64xf32> to vector<1024x64xf32>
    %add3A_29 = arith.addf %get3A_23, %get3A_28 : vector<1024x64xf32>
    %concatenate3A = tpu.concatenate %add3A_18, %add3A_29 in 1 : vector<1024x64xf32>, vector<1024x64xf32> -> vector<1024x128xf32>
    %mul3A = vector.broadcast %rsqrt3A : vector<1024x1xf32> to vector<1024x128xf32>
    %mul3A_30 = arith.mulf %mul3A, %concatenate3A : vector<1024x128xf32>
    %get3A_31 = arith.constant 0 : index
    %get3A_32 = arith.constant 0 : index
    %get3A_33 = vector.load %arg6[%get3A_31, %get3A_32] : memref<1x128xf32, #tpu.memory_space<vmem>>, vector<1x128xf32>
    %add3A_34 = vector.broadcast %get3A_33 : vector<1x128xf32> to vector<1024x128xf32>
    %add3A_35 = arith.addf %mul3A_30, %add3A_34 : vector<1024x128xf32>
    %max3A = arith.constant 0.000000e+00 : f32
    %max3A_36 = vector.broadcast %max3A : f32 to vector<1024x128xf32>
    %max3A_37 = arith.maximumf %add3A_35, %max3A_36 : vector<1024x128xf32>
    %get3A_38 = arith.constant 0 : index
    %get3A_39 = arith.constant 0 : index
    %get3A_40 = vector.load %arg5[%get3A_38, %get3A_39] : memref<128x128xf32, #tpu.memory_space<vmem>>, vector<128x128xf32>
    %dot_general3A = arith.constant dense<0.000000e+00> : vector<1024x128xf32>
    %dot_general3A_41 = tpu.matmul %max3A_37, %get3A_40, %dot_general3A {dimension_numbers = #tpu.dot_dimension_numbers<[1], [1], [0], [0], [0, 0, 1, 0], [], []>, transpose_lhs_hint = false} : vector<1024x128xf32>, vector<128x128xf32>, vector<1024x128xf32> -> vector<1024x128xf32>
    %mul3A_42 = vector.broadcast %rsqrt3A : vector<1024x1xf32> to vector<1024x128xf32>
    %mul3A_43 = arith.mulf %mul3A_42, %dot_general3A_41 : vector<1024x128xf32>
    %slice3A = vector.extract_strided_slice %mul3A_43 {offsets = [0, 0], sizes = [1024, 64], strides = [1, 1]} : vector<1024x128xf32> to vector<1024x64xf32>
    %swap3A = arith.constant 0 : index
    %swap3A_44 = arith.constant 0 : index
    %swap3A_45 = arith.constant 0 : index
    %swap3A_46 = vector.load %arg7[%swap3A, %swap3A_44, %swap3A_45] : memref<2x1024x64xf32, #tpu.memory_space<vmem>>, vector<1x1024x64xf32>
    %swap3A_47 = vector.shape_cast %swap3A_46 : vector<1x1024x64xf32> to vector<1024x64xf32>
    %swap3A_48 = vector.shape_cast %slice3A : vector<1024x64xf32> to vector<1x1024x64xf32>
    tpu.vector_store %arg7[%swap3A, %swap3A_44, %swap3A_45], %swap3A_48 {strides = array<i32>} : memref<2x1024x64xf32, #tpu.memory_space<vmem>>, vector<1x1024x64xf32>,
    %slice3A_49 = vector.extract_strided_slice %mul3A_43 {offsets = [0, 64], sizes = [1024, 64], strides = [1, 1]} : vector<1024x128xf32> to vector<1024x64xf32>
    %swap3A_50 = arith.constant 1 : index
    %swap3A_51 = arith.constant 0 : index
    %swap3A_52 = arith.constant 0 : index
    %swap3A_53 = vector.load %arg7[%swap3A_50, %swap3A_51, %swap3A_52] : memref<2x1024x64xf32, #tpu.memory_space<vmem>>, vector<1x1024x64xf32>
    %swap3A_54 = vector.shape_cast %swap3A_53 : vector<1x1024x64xf32> to vector<1024x64xf32>
    %swap3A_55 = vector.shape_cast %slice3A_49 : vector<1024x64xf32> to vector<1x1024x64xf32>
    tpu.vector_store %arg7[%swap3A_50, %swap3A_51, %swap3A_52], %swap3A_55 {strides = array<i32>} : memref<2x1024x64xf32, #tpu.memory_space<vmem>>, vector<1x1024x64xf32>,
    return
  }
  func.func @transform_0(%arg0: i32) -> (i32, i32, i32) {
    %c0_i32 = arith.constant 0 : i32
    %c0_i32_0 = arith.constant 0 : i32
    %c0_i32_1 = arith.constant 0 : i32
    return %c0_i32, %arg0, %c0_i32_0 : i32, i32, i32
  }
  func.func @transform_1(%arg0: i32) -> (i32, i32, i32) {
    %c0_i32 = arith.constant 0 : i32
    %c0_i32_0 = arith.constant 0 : i32
    %c0_i32_1 = arith.constant 0 : i32
    return %c0_i32, %arg0, %c0_i32_0 : i32, i32, i32
  }
  func.func @transform_2(%arg0: i32) -> (i32, i32) {
    %c0_i32 = arith.constant 0 : i32
    %c0_i32_0 = arith.constant 0 : i32
    return %arg0, %c0_i32 : i32, i32
  }
  func.func @transform_3(%arg0: i32) -> (i32, i32) {
    %c0_i32 = arith.constant 0 : i32
    %c0_i32_0 = arith.constant 0 : i32
    return %arg0, %c0_i32 : i32, i32
  }
  func.func @transform_4(%arg0: i32) -> (i32, i32) {
    %c0_i32 = arith.constant 0 : i32
    %c0_i32_0 = arith.constant 0 : i32
    %c0_i32_1 = arith.constant 0 : i32
    return %c0_i32, %c0_i32_0 : i32, i32
  }
  func.func @transform_5(%arg0: i32) -> (i32, i32) {
    %c0_i32 = arith.constant 0 : i32
    %c0_i32_0 = arith.constant 0 : i32
    %c0_i32_1 = arith.constant 0 : i32
    return %c0_i32, %c0_i32_0 : i32, i32
  }
  func.func @transform_6(%arg0: i32) -> (i32, i32, i32) {
    %c0_i32 = arith.constant 0 : i32
    %c0_i32_0 = arith.constant 0 : i32
    %c0_i32_1 = arith.constant 0 : i32
    return %c0_i32, %arg0, %c0_i32_0 : i32, i32, i32
  }
}

module attributes {stable_mosaic.version = 14 : i64} {
  func.func @_b3_body(%arg0: i32, %arg1: memref<2x1024x64xf32, #tpu.memory_space<vmem>>, %arg2: memref<2x1024x64xf32, #tpu.memory_space<vmem>>, %arg3: memref<1024x128xf32, #tpu.memory_space<vmem>>, %arg4: memref<1024x128xf32, #tpu.memory_space<vmem>>, %arg5: memref<1x128xf32, #tpu.memory_space<vmem>>, %arg6: memref<1024x128xf32, #tpu.memory_space<vmem>>) attributes {dimension_semantics = [#tpu.dimension_semantics<arbitrary>], iteration_bounds = array<i64: 10>, scalar_prefetch = 0 : i64, scratch_operands = 0 : i64, tpu.core_type = #tpu.core_type<tc>, window_params = [{transform_indices = @transform_0, window_bounds = array<i64: 2, 1024, 64>}, {transform_indices = @transform_1, window_bounds = array<i64: 2, 1024, 64>}, {transform_indices = @transform_2, window_bounds = array<i64: 1024, 128>}, {transform_indices = @transform_3, window_bounds = array<i64: 1024, 128>}, {pipeline_mode = #tpu.pipeline_mode<synchronous>, transform_indices = @transform_4, window_bounds = array<i64: 1, 128>}, {transform_indices = @transform_5, window_bounds = array<i64: 1024, 128>}]} {
    %get3A = arith.constant 0 : index
    %get3A_0 = arith.constant 0 : index
    %get3A_1 = vector.load %arg3[%get3A, %get3A_0] : memref<1024x128xf32, #tpu.memory_space<vmem>>, vector<1024x1xf32>
    %get3A_2 = arith.constant 0 : index
    %get3A_3 = arith.constant 0 : index
    %get3A_4 = vector.load %arg4[%get3A_2, %get3A_3] : memref<1024x128xf32, #tpu.memory_space<vmem>>, vector<1024x1xf32>
    %add3A = arith.addf %get3A_1, %get3A_4 : vector<1024x1xf32>
    %add3A_5 = arith.constant 1.000000e+00 : f32
    %add3A_6 = vector.broadcast %add3A_5 : f32 to vector<1024x1xf32>
    %add3A_7 = arith.addf %add3A, %add3A_6 : vector<1024x1xf32>
    %rsqrt3A = math.rsqrt %add3A_7 : vector<1024x1xf32>
    %get3A_8 = arith.constant 0 : index
    %get3A_9 = arith.constant 0 : index
    %get3A_10 = arith.constant 0 : index
    %get3A_11 = vector.load %arg1[%get3A_8, %get3A_9, %get3A_10] : memref<2x1024x64xf32, #tpu.memory_space<vmem>>, vector<1x1024x64xf32>
    %get3A_12 = vector.shape_cast %get3A_11 : vector<1x1024x64xf32> to vector<1024x64xf32>
    %get3A_13 = arith.constant 0 : index
    %get3A_14 = arith.constant 0 : index
    %get3A_15 = arith.constant 0 : index
    %get3A_16 = vector.load %arg2[%get3A_13, %get3A_14, %get3A_15] : memref<2x1024x64xf32, #tpu.memory_space<vmem>>, vector<1x1024x64xf32>
    %get3A_17 = vector.shape_cast %get3A_16 : vector<1x1024x64xf32> to vector<1024x64xf32>
    %add3A_18 = arith.addf %get3A_12, %get3A_17 : vector<1024x64xf32>
    %get3A_19 = arith.constant 1 : index
    %get3A_20 = arith.constant 0 : index
    %get3A_21 = arith.constant 0 : index
    %get3A_22 = vector.load %arg1[%get3A_19, %get3A_20, %get3A_21] : memref<2x1024x64xf32, #tpu.memory_space<vmem>>, vector<1x1024x64xf32>
    %get3A_23 = vector.shape_cast %get3A_22 : vector<1x1024x64xf32> to vector<1024x64xf32>
    %get3A_24 = arith.constant 1 : index
    %get3A_25 = arith.constant 0 : index
    %get3A_26 = arith.constant 0 : index
    %get3A_27 = vector.load %arg2[%get3A_24, %get3A_25, %get3A_26] : memref<2x1024x64xf32, #tpu.memory_space<vmem>>, vector<1x1024x64xf32>
    %get3A_28 = vector.shape_cast %get3A_27 : vector<1x1024x64xf32> to vector<1024x64xf32>
    %add3A_29 = arith.addf %get3A_23, %get3A_28 : vector<1024x64xf32>
    %concatenate3A = tpu.concatenate %add3A_18, %add3A_29 in 1 : vector<1024x64xf32>, vector<1024x64xf32> -> vector<1024x128xf32>
    %mul3A = vector.broadcast %rsqrt3A : vector<1024x1xf32> to vector<1024x128xf32>
    %mul3A_30 = arith.mulf %mul3A, %concatenate3A : vector<1024x128xf32>
    %get3A_31 = arith.constant 0 : index
    %get3A_32 = arith.constant 0 : index
    %get3A_33 = vector.load %arg5[%get3A_31, %get3A_32] : memref<1x128xf32, #tpu.memory_space<vmem>>, vector<1x128xf32>
    %add3A_34 = vector.broadcast %get3A_33 : vector<1x128xf32> to vector<1024x128xf32>
    %add3A_35 = arith.addf %mul3A_30, %add3A_34 : vector<1024x128xf32>
    %reduce_max3A = arith.constant dense<0xFF800000> : vector<1024xf32>
    %reduce_max3A_36 = vector.multi_reduction <maximumf>, %add3A_35, %reduce_max3A [1] : vector<1024x128xf32> to vector<1024xf32>
    %broadcast_in_dim3A = vector.shape_cast %reduce_max3A_36 : vector<1024xf32> to vector<1024x1xf32>
    %sub3A = vector.broadcast %broadcast_in_dim3A : vector<1024x1xf32> to vector<1024x128xf32>
    %sub3A_37 = arith.subf %add3A_35, %sub3A : vector<1024x128xf32>
    %exp3A = math.exp %sub3A_37 : vector<1024x128xf32>
    %reduce_sum3A = arith.constant dense<0.000000e+00> : vector<1024xf32>
    %reduce_sum3A_38 = vector.multi_reduction <add>, %exp3A, %reduce_sum3A [1] : vector<1024x128xf32> to vector<1024xf32>
    %broadcast_in_dim3A_39 = vector.shape_cast %reduce_sum3A_38 : vector<1024xf32> to vector<1024x1xf32>
    %sub3A_40 = vector.broadcast %broadcast_in_dim3A : vector<1024x1xf32> to vector<1024x128xf32>
    %sub3A_41 = arith.subf %add3A_35, %sub3A_40 : vector<1024x128xf32>
    %log3A = math.log %broadcast_in_dim3A_39 : vector<1024x1xf32>
    %sub3A_42 = vector.broadcast %log3A : vector<1024x1xf32> to vector<1024x128xf32>
    %sub3A_43 = arith.subf %sub3A_41, %sub3A_42 : vector<1024x128xf32>
    %swap3A = arith.constant 0 : index
    %swap3A_44 = arith.constant 0 : index
    %swap3A_45 = vector.load %arg6[%swap3A, %swap3A_44] : memref<1024x128xf32, #tpu.memory_space<vmem>>, vector<1024x128xf32>
    tpu.vector_store %arg6[%swap3A, %swap3A_44], %sub3A_43 {strides = array<i32>} : memref<1024x128xf32, #tpu.memory_space<vmem>>, vector<1024x128xf32>,
    return
  }
  func.func @transform_0(%arg0: i32) -> (i32, i32, i32) {
    %c0_i32 = arith.constant 0 : i32
    %c0_i32_0 = arith.constant 0 : i32
    %c0_i32_1 = arith.constant 0 : i32
    return %c0_i32, %arg0, %c0_i32_0 : i32, i32, i32
  }
  func.func @transform_1(%arg0: i32) -> (i32, i32, i32) {
    %c0_i32 = arith.constant 0 : i32
    %c0_i32_0 = arith.constant 0 : i32
    %c0_i32_1 = arith.constant 0 : i32
    return %c0_i32, %arg0, %c0_i32_0 : i32, i32, i32
  }
  func.func @transform_2(%arg0: i32) -> (i32, i32) {
    %c0_i32 = arith.constant 0 : i32
    %c0_i32_0 = arith.constant 0 : i32
    return %arg0, %c0_i32 : i32, i32
  }
  func.func @transform_3(%arg0: i32) -> (i32, i32) {
    %c0_i32 = arith.constant 0 : i32
    %c0_i32_0 = arith.constant 0 : i32
    return %arg0, %c0_i32 : i32, i32
  }
  func.func @transform_4(%arg0: i32) -> (i32, i32) {
    %c0_i32 = arith.constant 0 : i32
    %c0_i32_0 = arith.constant 0 : i32
    %c0_i32_1 = arith.constant 0 : i32
    return %c0_i32, %c0_i32_0 : i32, i32
  }
  func.func @transform_5(%arg0: i32) -> (i32, i32) {
    %c0_i32 = arith.constant 0 : i32
    %c0_i32_0 = arith.constant 0 : i32
    return %arg0, %c0_i32 : i32, i32
  }
}

</mosaic_0001>

<sc_bundles>
// kernel: kernel.11.cloned.1.call-start
scs
__scs_entry_jumppad:
0x0: {  	(pc) =	sbr.rel $0x88, $3  }
0x1: {  	(tag) =	ssettag $0x0;
	lr =	simm.s32 $0x1  }
0x2: {  	[smem:$0x3F9B] =	sst lr;
	_ =	strace $0xD0000000  }
0x3: {  	_ = 	snop  }
0x4: {  	_ = 	snop  }
0x5: {  	_ = 	snop  }
0x6: {  	_ = 	snop  }
0x7: {  	_ = 	snop  }
__scs_overlays_trampoline_lowered:
0x8: {  	[smem:$0x3FAA] =	sst s0  }
0x9: {  	[smem:$0x3FAB] =	sst s1  }
0xa: {  	[smem:$0x3FAC] =	sst s2  }
0xb: {  	[smem:$0x3FAD] =	sst s3  }
0xc: {  	[smem:$0x3FAE] =	sst s4  }
0xd: {  	[smem:$0x3FAF] =	sst s5  }
0xe: {  	[smem:$0x3FB0] =	sst s6  }
0xf: {  	[smem:$0x3FB1] =	sst s7  }
0x10: {  	[smem:$0x3FB2] =	sst s8  }
0x11: {  	[smem:$0x3FB3] =	sst s9;
	s0 =	simm.s32 @!p0 $0x0  }
0x12: {  	s1 =	sld [smem:$0x3F99];
	s0 =	simm.s32 @p0 $0x1  }
0x13: {  	[smem:$0x3FB4] =	sst s0;
	s0 =	simm.s32 @!p1 $0x0  }
0x14: {  	s2 =	sld [smem:$0x3F98];
	s0 =	simm.s32 @p1 $0x1  }
0x15: {  	[smem:$0x3FB5] =	sst s0;
	s0 =	simm.s32 @!p2 $0x0  }
0x16: {  	s3 =	sld [smem:$0x3FDB];
	s0 =	simm.s32 @p2 $0x1  }
0x17: {  	s4 =	simm.s32 $0x1BF5;
	[smem:$0x3FB7] =	sst s0  }
0x18: {  	s0 =	sld [smem:$0x3F9A];
	_ =	swait.ge [sflag:s4], $0x0  }
0x19: {  	s7 =	sld [smem:$0x3F9B]  }
0x1a: {  	s8 =	sadd.s32 $0xFFFFE003, lr  }
0x1b: {  	s9 =	sadd.s32 $0xFFFFFEF7, lr;
	s5 =	simm.s32 $0xFFFFFFFF;
	p2 =	slt.u32 s8, $0xFFFFF086  }
0x1c: {  	p1 =	slt.u32 s9, $0xF7A;
	s5 =	simm.s32 @!p2 $0x0  }
0x1d: {  	s5 =	simm.s32 @p1 $0x1;
	p0 =	seq.s32 s7, s2  }
0x1e: {  	s7 =	smul.u32 @!p0 $0xF7A, s2;
	p2 =	seq.s32 @!p0 s5, $0x0  }
0x1f: {  	s9 =	smul.u32 $0xF7A, s1;
	s8 =	simm.s32 @!p0 $0x1BF5;
	p2 =	por !p2, p0  }
0x20: {  	[sflag:s8] =	ssyncset.s32 @!p0 $0xFFFFF086;
	s6 =	sadd.s32 @!p0 s3, s7;
	s7 =	simm.s32 @!p0 $0x108  }
0x21: {  	s3 =	sadd.s32 s3, s9;
	s6 =	sadd.s32 @!p0 $0x88, s6;
	s7 =	simm.s32 @p2 $0x1082  }
0x22: {  	[simem:s7], [sflag:s8] =	dma.local @!p0 [hbm:s6], $0xF7A  }
0x23: {  	s9 =	sor.u32 $0xD0000000, s2;
	s6 =	simm.s32 $0x108;
	_ =	swait.ge @!p0 [sflag:s8], $0x0  }
0x24: {  	s3 =	sadd.s32 $0x88, s3;
	s6 =	simm.s32 @!p1 $0x1082;
	[sflag:s4] =	ssyncset.s32 $0xFFFFF086  }
0x25: {  	[simem:s6], [sflag:s4] =	dma.local [hbm:s3], $0xF7A  }
0x26: {  	[smem:$0x3F9B] =	sst s1;
	(tag) =	ssettag s2;
	_ =	strace s9  }
0x27: {  	s1 =	sld [smem:$0x3FAB]  }
0x28: {  	s2 =	sld [smem:$0x3FAC]  }
0x29: {  	s4 =	sld [smem:$0x3FAE]  }
0x2a: {  	p0 =	seq.s32 s5, $0x0;
	s5 =	sld [smem:$0x3FAF]  }
0x2b: {  	s6 =	sld [smem:$0x3FB0]  }
0x2c: {  	s7 =	sld [smem:$0x3FB1]  }
0x2d: {  	s3 =	simm.s32 $0x108;
	s8 =	sld [smem:$0x3FB2]  }
0x2e: {  	s3 =	simm.s32 @!p0 $0x1082;
	s9 =	sld [smem:$0x3FB3]  }
0x2f: {  	lr =	sadd.s32 s0, s3;
	s0 =	sld [smem:$0x3FAA]  }
0x30: {  	s3 =	sld [smem:$0x3FAD]  }
0x31: {  	[smem:$0x3FB6] =	sst s10  }
0x32: {  	s10 =	sld [smem:$0x3FB4];
	_ =	sdelay $0x3  }
0x33: {  	p0 =	seq.s32 s10, $0x1;
	s10 =	sld [smem:$0x3FB6];
	_ =	sdelay $0x3  }
0x34: {  	[smem:$0x3FB6] =	sst s10  }
0x35: {  	s10 =	sld [smem:$0x3FB5];
	_ =	sdelay $0x3  }
0x36: {  	p1 =	seq.s32 s10, $0x1;
	s10 =	sld [smem:$0x3FB6];
	_ =	sdelay $0x3  }
0x37: {  	[smem:$0x3FB6] =	sst s10  }
0x38: {  	s10 =	sld [smem:$0x3FB7]  }
0x39: {  	_ = 	snop;
	(pc) =	sbr.ind lr, $3  }
0x3a: {  	_ = 	snop  }
0x3b: {  	_ = 	snop  }
0x3c: {  	p2 =	seq.s32 s10, $0x1;
	s10 =	sld [smem:$0x3FB6]  }
0x3d: {  	_ =	shalt  }
0x3e: {  	_ =	shalt  }
0x3f: {  	_ =	shalt  }
0x40: {  	_ =	shalt  }
0x41: {  	_ =	shalt  }
0x42: {  	_ =	shalt  }
0x43: {  	_ =	shalt  }
0x44: {  	_ =	shalt  }
0x45: {  	_ =	shalt  }
0x46: {  	_ =	shalt  }
0x47: {  	_ =	shalt  }
0x48: {  	_ =	shalt  }
0x49: {  	_ =	shalt  }
0x4a: {  	_ =	shalt  }
0x4b: {  	_ =	shalt  }
0x4c: {  	_ =	shalt  }
0x4d: {  	_ =	shalt  }
0x4e: {  	_ =	shalt  }
0x4f: {  	_ =	shalt  }
0x50: {  	_ =	shalt  }
0x51: {  	_ =	shalt  }
0x52: {  	_ =	shalt  }
0x53: {  	_ =	shalt  }
0x54: {  	_ =	shalt  }
0x55: {  	_ =	shalt  }
0x56: {  	_ =	shalt  }
0x57: {  	_ =	shalt  }
0x58: {  	_ =	shalt  }
0x59: {  	_ =	shalt  }
0x5a: {  	_ =	shalt  }
0x5b: {  	_ =	shalt  }
0x5c: {  	_ =	shalt  }
0x5d: {  	_ =	shalt  }
0x5e: {  	_ =	shalt  }
0x5f: {  	_ =	shalt  }
0x60: {  	_ =	shalt  }
0x61: {  	_ =	shalt  }
0x62: {  	_ =	shalt  }
0x63: {  	_ =	shalt  }
0x64: {  	_ =	shalt  }
0x65: {  	_ =	shalt  }
0x66: {  	_ =	shalt  }
0x67: {  	_ =	shalt  }
0x68: {  	_ =	shalt  }
0x69: {  	_ =	shalt  }
0x6a: {  	_ =	shalt  }
0x6b: {  	_ =	shalt  }
0x6c: {  	_ =	shalt  }
0x6d: {  	_ =	shalt  }
0x6e: {  	_ =	shalt  }
0x6f: {  	_ =	shalt  }
0x70: {  	_ =	shalt  }
0x71: {  	_ =	shalt  }
0x72: {  	_ =	shalt  }
0x73: {  	_ =	shalt  }
0x74: {  	_ =	shalt  }
0x75: {  	_ =	shalt  }
0x76: {  	_ =	shalt  }
0x77: {  	_ =	shalt  }
0x78: {  	_ =	shalt  }
0x79: {  	_ =	shalt  }
0x7a: {  	_ =	shalt  }
0x7b: {  	_ =	shalt  }
0x7c: {  	_ =	shalt  }
0x7d: {  	_ =	shalt  }
0x7e: {  	_ =	shalt  }
0x7f: {  	_ =	shalt  }
0x80: {  	_ =	shalt  }
0x81: {  	_ =	shalt  }
0x82: {  	_ =	shalt  }
0x83: {  	_ =	shalt  }
0x84: {  	_ =	shalt  }
0x85: {  	_ =	shalt  }
0x86: {  	_ =	shalt  }
0x87: {  	_ =	shalt  }
.Lfunc_end0:
.L_simem_size_0:
called_computation.1_lowered:
.L_overlay_start_0:
0x88: {  	s2 =	sld [smem:$0x3FD9]  }
0x89: {  	s3 =	sld [smem:$0x3FFE];
	_ =	sdelay $0x1  }
0x8a: {  	s1 =	srdreg.scid  }
0x8b: {  	s0 =	sand.u32 $0x1, s1  }
0x8c: {  	s17 =	sshll.u32 s0, $0xA;
	s2 =	sadd.s32 s3, s2  }
0x8d: {  	s2 =	sadd.s32 s2, s17  }
0x8e: {  	[smem:$0x3FC2] =	sst s2  }
0x8f: {  	_ = 	snop  }
0x90: {  	s2 =	sld [smem:$0x3FD0];
	(tm) =	ssettm $0x1  }
0x91: {  	s18 =	sld [smem:$0x3FFB];
	_ =	sdelay $0x3  }
0x92: {  	_ =	strace s18  }
0x93: {  	s3 =	sld [smem:$0x3FFC];
	_ =	sdelay $0x3  }
0x94: {  	_ =	strace s3  }
0x95: {  	s3 =	sld [smem:$0x3FFD];
	_ =	sdelay $0x3  }
0x96: {  	_ =	strace s3  }
0x97: {  	_ =	strace $0x8FFFFFFF  }
0x98: {  	s19 =	sld [smem:$0x3FDB];
	_ =	sdelay $0x1  }
0x99: {  	s4 =	simm.s32 $_scs_section_size  }
0x9a: {  	s5 =	simm.s32 $_size__tile_overlayer_lowered;
	s6 =	simm.s32 $_tile_overlayer_lowered  }
0x9b: {  	s22 =	simm.s32 $0x1BFF;
	s21 =	sshll.u32 s6, $0x1;
	s3 =	sadd.s32 s4, s19  }
0x9c: {  	s7 =	simm.s32 $0x0;
	s20 =	sshll.u32 s5, $0x1;
	s5 =	sadd.s32 s21, s3  }
0x9d: {  	[timem:s7], [sflag:s22] =	dma.local [hbm:s5], s20  }
0x9e: {  	_ =	swait.ge [sflag:s22], s20  }
0x9f: {  	s4 =	ssub.s32 $0x0, s20;
	[sflag:s22] =	ssyncset.done $0x0  }
0xa0: {  	[sflag:s22] =	ssyncadd.s32 s4;
	_ =	sdelay $0x1  }
0xa1: {  	s23 =	simm.s32 $0x1B8B  }
0xa2: {  	_ =	swait.ge [sflag:s23], $0x1  }
0xa3: {  	[sflag:s23] =	ssyncset.done $0x0  }
0xa4: {  	s25 =	simm.s32 $0x1B8E;
	s24 =	sld [smem:$0x3FFE];
	[sflag:s23] =	ssyncadd.s32 $0xFFFFFFFF  }
0xa5: {  	s26 =	simm.s32 $execute0_lowered;
	[smem:$0x3FD2] =	sst s25  }
0xa6: {  	s5 =	sshll.u32 s26, $0x1;
	_ =	strace $0x80000049;
	[dreg:$0x1] =	wrdreg $0xFFFFFFFF  }
0xa7: {  	s28 =	simm.s32 $_size_execute0_lowered;
	s3 =	sadd.s32 s3, s5;
	[dreg:$0x0] =	wrdreg $0x0  }
0xa8: {  	s5 =	sshll.u32 s28, $0x1;
	[dreg:$0x2] =	wrdreg s3  }
0xa9: {  	[dreg:$0x3] =	wrdreg s5  }
0xaa: {  	[dreg:$0x4] =	wrdreg $0xC0  }
0xab: {  	_ =	task [dreg:s7], $0x5FFFF  }
0xac: {  	[dreg:$0x1] =	wrdreg $0xFFFFFFFF  }
0xad: {  	[dreg:$0x0] =	wrdreg $0x60  }
0xae: {  	[dreg:$0x2] =	wrdreg s24  }
0xaf: {  	[dreg:$0x3] =	wrdreg s2  }
0xb0: {  	[dreg:$0x4] =	wrdreg $0xA0000  }
0xb1: {  	[dreg:$0x5] =	wrdreg $0x0  }
0xb2: {  	[dreg:$0x6] =	wrdreg $0x9  }
0xb3: {  	_ =	task.clear_ibuf [dreg:s7], $0x7FFFF;
	_ =	strace $0x90000049  }
0xb4: {  	s29 =	simm.s32 $0x9;
	_ =	strace $0x8000004B  }
0xb5: {  	_ =	swait.ge [sflag:s29], $0x1  }
0xb6: {  	[sflag:s29] =	ssyncadd.s32 $0xFFFFFFFF  }
0xb7: {  	_ =	strace $0x9000004B  }
0xb8: {  	_ =	sfence  }
0xb9: {  	s30 =	sld [smem:$0x0];
	_ =	sdelay $0x2  }
0xba: {  	s31 =	sshll.u32 s1, $0xD;
	s1 =	sshrl.u32 s1, $0x2  }
0xbb: {  	s3 =	sand.u32 $0x4000, s31;
	s1 =	sadd.s32 s1, s30  }
0xbc: {  	s0 =	sor.u32 s3, s0;
	s1 =	sshll.u32 s1, $0x11  }
0xbd: {  	s0 =	sor.u32 s1, s0  }
0xbe: {  	s0 =	sadd.s32 $0x8F2B, s0  }
0xbf: {  	[sflag:s0] =	ssyncadd.remote.s32 $0x1  }
0xc0: {  	_ =	sfence.sel $0xFFFF  }
0xc1: {  	[dreg:$0x0] =	wrdreg $0xFFFFFFFF;
	(pc) =	sbr.abs _section_cstart, $3  }
0xc2: {  	[dreg:$0x1] =	wrdreg $0xFFFFFFFF  }
0xc3: {  	_ =	task.clear_ibuf [dreg:s7], $0x2FFFF;
	_ =	strace $0x9FFFFFFF  }
0xc4: {  	(tm) =	ssettm $0x7FFFFFFF  }
0xc5: {  	_ =	shalt  }
tec
execute0_lowered:
.L_overlay_start_1:
0x0: {  	(tag) =	ssettag $0x1  }
0x1: {  	s8 =	rddreg [dreg:$0x0]  }
0x2: {  	s1 =	rddreg [dreg:$0x1]  }
0x3: {  	s3 =	rddreg [dreg:$0x2]  }
0x4: {  	s2 =	srdreg.scid;
	s0 =	stileid.u32  }
0x5: {  	s4 =	rddreg [dreg:$0x3];
	s5 =	simm.s32 $0x0;
	s16 =	simm.s32 $0x14000  }
0x6: {  	s17 =	simm.s32 $0x14A00;
	s18 =	simm.s32 $0x80;
	s19 =	simm.s32 $0x15480  }
0x7: {  	s20 =	simm.s32 $0x17480;
	s21 =	simm.s32 $0x1;
	s22 =	simm.s32 $0x15400  }
0x8: {  	s23 =	simm.s32 $0x2;
	s7 =	sand.u32 $0x1, s2;
	s2 =	rddreg [dreg:$0x4]  }
0x9: {  	s24 =	simm.s32 $0x14980;
	s9 =	smul.u32 $0xA000, s0;
	[smem:$0x7FF] =	sst s5  }
0xa: {  	s31 =	sshll.u32 s0, $0x6;
	s6 =	smul.u32 $0xA0000, s7;
	s11 =	ssub.s32 $0x2, s7  }
0xb: {  	_ =	strace $0x8000004A;
	s7 =	sadd.s32 $0x51C00, s8;
	s30 =	sshrl.u32 s11, $0x1  }
0xc: {  	s14 =	sadd.s32 s9, s3;
	s15 =	sadd.s32 s9, s4;
	s10 =	sadd.s32 s9, s6  }
0xd: {  	s6 =	sadd.s32 $0x54C00, s8;
	s13 =	ssub.s32 s11, s30;
	s10 =	sshrl.u32 s10, $0x3  }
0xe: {  	s15 =	sshrl.u32 s15, $0x3;
	s12 =	sadd.s32 s10, s8;
	s8 =	sor.u32 $0x1C03, s31  }
0xf: {  	s10 =	smul.u32 $0x5000, s0;
	s9 =	sadd.s32 $0x29C00, s12;
	s11 =	sadd.s32 $0xAEC00, s12  }
0x10: {  	s12 =	smax.u32 s13, $0x1;
	s13 =	sshrl.u32 s14, $0x3;
	s14 =	simm.s32 $0x3  }
.LBB2_1:
0x11: {  	[spmem:s13], [sflag:s8] =	dma.local [hbm:s7], $0x1400  }
0x12: {  	_ =	swait.ge [sflag:s14], $0x1400  }
0x13: {  	[sflag:s14] =	ssyncset.done $0x0  }
0x14: {  	[sflag:s14] =	ssyncadd.s32 $0xFFFFEC00  }
0x15: {  	[spmem:s15], [sflag:s8] =	dma.local [hbm:s9], $0x1400  }
0x16: {  	_ =	swait.ge [sflag:s14], $0x1400  }
0x17: {  	[sflag:s14] =	ssyncset.done $0x0  }
0x18: {  	[sflag:s14] =	ssyncadd.s32 $0xFFFFEC00  }
0x19: {  	s25 =	simm.s32 $0x0;
	[bflag:$0x0] =	sbarrier.arrive $0xFFFF  }
.LBB2_2:
0x1a: {  	s26 =	smul.u32 $0xA00, s25;
	_ =	sdelay $0x1  }
0x1b: {  	s26 =	sadd.s32 s10, s26  }
0x1c: {  	s26 =	sshrl.u32 s26, $0x3  }
0x1d: {  	s29 =	simm.s32 $0x0;
	s28 =	sadd.s32 s1, s26  }
0x1e: {  	[tilespmem:s16], [sflag:$0x3] =	stream.linear.gather [hbm4b:s28+s29], $0xA00, $0x38;
	[tilespmem:$0x19480] =	vst v63  }
0x1f: {  	_ =	swait.ge [sflag:s14], $0xA00  }
0x20: {  	[sflag:s14] =	ssyncset.done $0x0  }
0x21: {  	s26 =	sadd.s32 s6, s26;
	[sflag:s14] =	ssyncadd.s32 $0xFFFFF600  }
0x22: {  	[tilespmem:s17], [sflag:$0x3] =	stream.linear.gather [hbm4b:s26+s29], $0xA00, $0x38;
	[tilespmem:$0x19480] =	vst v63  }
0x23: {  	_ =	swait.ge [sflag:s14], $0xA00  }
0x24: {  	[sflag:s14] =	ssyncset.done $0x0  }
0x25: {  	[sflag:s14] =	ssyncadd.s32 $0xFFFFF600  }
0x26: {  	[tilespmem:s19], [sflag:$0x1] =	stream.indirect.gather [spmem:s4], $0x40, s16, s18, $0xb8;
	[tilespmem:$0x19480] =	vst v63  }
0x27: {  	s28 =	simm.s32 $0x14080  }
0x28: {  	[tilespmem:s20], [sflag:$0x2] =	stream.indirect.gather [spmem:s4], $0x40, s28, s18, $0xb8;
	[tilespmem:$0x19480] =	vst v63  }
0x29: {  	_ =	swait.ge [sflag:s21], $0x2000  }
0x2a: {  	[sflag:s21] =	ssyncset.done $0x0  }
0x2b: {  	s29 =	simm.s32 $0x0;
	[sflag:s21] =	ssyncadd.s32 $0xFFFFE000  }
0x2c: {  	v0 =	vld [tilespmem:s29+$0x14A00];
	_ =	sdelay $0x4  }
0x2d: {  	[tilespmem:$0x15400] =	vst v0  }
0x2e: {  	v0 =	vld [tilespmem:s29+$0x14A10];
	_ =	sdelay $0x4  }
0x2f: {  	[tilespmem:$0x15410] =	vst v0  }
0x30: {  	v0 =	vld [tilespmem:s29+$0x14A20];
	_ =	sdelay $0x4  }
0x31: {  	[tilespmem:$0x15420] =	vst v0  }
0x32: {  	v0 =	vld [tilespmem:s29+$0x14A30];
	_ =	sdelay $0x4  }
0x33: {  	[tilespmem:$0x15430] =	vst v0  }
0x34: {  	v0 =	vld [tilespmem:s29+$0x14A40];
	_ =	sdelay $0x4  }
0x35: {  	[tilespmem:$0x15440] =	vst v0  }
0x36: {  	v0 =	vld [tilespmem:s29+$0x14A50];
	_ =	sdelay $0x4  }
0x37: {  	[tilespmem:$0x15450] =	vst v0  }
0x38: {  	v0 =	vld [tilespmem:s29+$0x14A60];
	_ =	sdelay $0x4  }
0x39: {  	[tilespmem:$0x15460] =	vst v0  }
0x3a: {  	v0 =	vld [tilespmem:s29+$0x14A70];
	_ =	sdelay $0x4  }
0x3b: {  	[tilespmem:$0x15470] =	vst v0  }
0x3c: {  	[spmem:s3] =	stream.indirect.scatter.add.f32 [tilespmem:s19], [sflag:$0x3], $0x40, s22, s18, $0xb8;
	[tilespmem:$0x19480] =	vst v63  }
0x3d: {  	_ =	swait.ge [sflag:s14], $0x2000  }
0x3e: {  	[sflag:s14] =	ssyncset.done $0x0  }
0x3f: {  	s31 =	simm.s32 $0x14100;
	[sflag:s14] =	ssyncadd.s32 $0xFFFFE000  }
0x40: {  	[tilespmem:s19], [sflag:$0x1] =	stream.indirect.gather [spmem:s4], $0x40, s31, s18, $0xb8;
	[tilespmem:$0x19480] =	vst v63  }
0x41: {  	_ =	swait.ge [sflag:s23], $0x2000  }
0x42: {  	[sflag:s23] =	ssyncset.done $0x0  }
0x43: {  	[sflag:s23] =	ssyncadd.s32 $0xFFFFE000  }
0x44: {  	v63 =	vld [tilespmem:s29+$0x14A80];
	_ =	sdelay $0x4  }
0x45: {  	[tilespmem:$0x15400] =	vst v63  }
0x46: {  	v0 =	vld [tilespmem:s29+$0x14A90];
	_ =	sdelay $0x4  }
0x47: {  	[tilespmem:$0x15410] =	vst v0  }
0x48: {  	v0 =	vld [tilespmem:s29+$0x14AA0];
	_ =	sdelay $0x4  }
0x49: {  	[tilespmem:$0x15420] =	vst v0  }
0x4a: {  	v0 =	vld [tilespmem:s29+$0x14AB0];
	_ =	sdelay $0x4  }
0x4b: {  	[tilespmem:$0x15430] =	vst v0  }
0x4c: {  	v0 =	vld [tilespmem:s29+$0x14AC0];
	_ =	sdelay $0x4  }
0x4d: {  	[tilespmem:$0x15440] =	vst v0  }
0x4e: {  	v0 =	vld [tilespmem:s29+$0x14AD0];
	_ =	sdelay $0x4  }
0x4f: {  	[tilespmem:$0x15450] =	vst v0  }
0x50: {  	v0 =	vld [tilespmem:s29+$0x14AE0];
	_ =	sdelay $0x4  }
0x51: {  	[tilespmem:$0x15460] =	vst v0  }
0x52: {  	v0 =	vld [tilespmem:s29+$0x14AF0];
	_ =	sdelay $0x4  }
0x53: {  	[tilespmem:$0x15470] =	vst v0  }
0x54: {  	[spmem:s3] =	stream.indirect.scatter.add.f32 [tilespmem:s20], [sflag:$0x3], $0x40, s22, s18, $0xb8;
	[tilespmem:$0x19480] =	vst v63  }
0x55: {  	_ =	swait.ge [sflag:s14], $0x2000  }
0x56: {  	s30 =	simm.s32 $0x800;
	s26 =	simm.s32 $0x100;
	[sflag:s14] =	ssyncset.done $0x0  }
.LBB2_3:
0x57: {  	s31 =	sadd.s32 $0x14080, s26  }
0x58: {  	[sflag:s14] =	ssyncadd.s32 $0xFFFFE000;
	s29 =	smov.u32 s30;
	s28 =	sadd.s32 $0x400, s30  }
0x59: {  	[tilespmem:s20], [sflag:$0x2] =	stream.indirect.gather [spmem:s4], $0x40, s31, s18, $0xb8;
	[tilespmem:$0x19480] =	vst v63  }
0x5a: {  	p0 =	sne.s32 s30, $0x2000;
	_ =	swait.ge [sflag:s21], $0x2000  }
0x5b: {  	[sflag:s21] =	ssyncset.done $0x0  }
0x5c: {  	[sflag:s21] =	ssyncadd.s32 $0xFFFFE000  }
0x5d: {  	v0 =	vld [tilespmem:s26+$0x14A00];
	_ =	sdelay $0x4  }
0x5e: {  	[tilespmem:$0x15400] =	vst v0  }
0x5f: {  	v0 =	vld [tilespmem:s26+$0x14A10];
	_ =	sdelay $0x4  }
0x60: {  	[tilespmem:$0x15410] =	vst v0  }
0x61: {  	v0 =	vld [tilespmem:s26+$0x14A20];
	_ =	sdelay $0x4  }
0x62: {  	[tilespmem:$0x15420] =	vst v0  }
0x63: {  	v0 =	vld [tilespmem:s26+$0x14A30];
	_ =	sdelay $0x4  }
0x64: {  	[tilespmem:$0x15430] =	vst v0  }
0x65: {  	v0 =	vld [tilespmem:s26+$0x14A40];
	_ =	sdelay $0x4  }
0x66: {  	[tilespmem:$0x15440] =	vst v0  }
0x67: {  	v0 =	vld [tilespmem:s26+$0x14A50];
	_ =	sdelay $0x4  }
0x68: {  	[tilespmem:$0x15450] =	vst v0  }
0x69: {  	v0 =	vld [tilespmem:s26+$0x14A60];
	_ =	sdelay $0x4  }
0x6a: {  	[tilespmem:$0x15460] =	vst v0  }
0x6b: {  	v0 =	vld [tilespmem:s26+$0x14A70];
	_ =	sdelay $0x4  }
0x6c: {  	[tilespmem:$0x15470] =	vst v0  }
0x6d: {  	[spmem:s3] =	stream.indirect.scatter.add.f32 [tilespmem:s19], [sflag:$0x3], $0x40, s22, s18, $0xb8;
	[tilespmem:$0x19480] =	vst v63  }
0x6e: {  	_ =	swait.ge [sflag:s14], $0x2000  }
0x6f: {  	[sflag:s14] =	ssyncset.done $0x0  }
0x70: {  	s30 =	sadd.s32 $0x14100, s26;
	[sflag:s14] =	ssyncadd.s32 $0xFFFFE000  }
0x71: {  	[tilespmem:s19], [sflag:$0x1] =	stream.indirect.gather [spmem:s4], $0x40, s30, s18, $0xb8;
	[tilespmem:$0x19480] =	vst v63  }
0x72: {  	_ =	swait.ge [sflag:s23], $0x2000  }
0x73: {  	[sflag:s23] =	ssyncset.done $0x0  }
0x74: {  	[sflag:s23] =	ssyncadd.s32 $0xFFFFE000  }
0x75: {  	v0 =	vld [tilespmem:s26+$0x14A80];
	_ =	sdelay $0x4  }
0x76: {  	[tilespmem:$0x15400] =	vst v0  }
0x77: {  	v0 =	vld [tilespmem:s26+$0x14A90];
	_ =	sdelay $0x4  }
0x78: {  	[tilespmem:$0x15410] =	vst v0  }
0x79: {  	v0 =	vld [tilespmem:s26+$0x14AA0];
	_ =	sdelay $0x4  }
0x7a: {  	[tilespmem:$0x15420] =	vst v0  }
0x7b: {  	v0 =	vld [tilespmem:s26+$0x14AB0];
	_ =	sdelay $0x4  }
0x7c: {  	[tilespmem:$0x15430] =	vst v0  }
0x7d: {  	v0 =	vld [tilespmem:s26+$0x14AC0];
	_ =	sdelay $0x4  }
0x7e: {  	[tilespmem:$0x15440] =	vst v0  }
0x7f: {  	v0 =	vld [tilespmem:s26+$0x14AD0];
	_ =	sdelay $0x4  }
0x80: {  	[tilespmem:$0x15450] =	vst v0  }
0x81: {  	v0 =	vld [tilespmem:s26+$0x14AE0];
	_ =	sdelay $0x4  }
0x82: {  	[tilespmem:$0x15460] =	vst v0  }
0x83: {  	v0 =	vld [tilespmem:s26+$0x14AF0];
	_ =	sdelay $0x3  }
.Ltmp0:
0x84: {  	(pc) =	sbr.rel @p0 .LBB2_3-.Ltmp0, $4  }
0x85: {  	[tilespmem:$0x15470] =	vst v0  }
0x86: {  	[spmem:s3] =	stream.indirect.scatter.add.f32 [tilespmem:s20], [sflag:$0x3], $0x40, s22, s18, $0xb8;
	[tilespmem:$0x19480] =	vst v63  }
0x87: {  	_ =	swait.ge [sflag:s14], $0x2000  }
0x88: {  	s30 =	smov.u32 s28;
	s26 =	sshra.s32 s29, $0x2;
	[sflag:s14] =	ssyncset.done $0x0  }
0x89: {  	s28 =	sadd.s32 $0x14080, s26;
	[sflag:s14] =	ssyncadd.s32 $0xFFFFE000  }
0x8a: {  	[tilespmem:s20], [sflag:$0x2] =	stream.indirect.gather [spmem:s4], $0x40, s28, s18, $0xb8;
	[tilespmem:$0x19480] =	vst v63  }
0x8b: {  	_ =	swait.ge [sflag:s21], $0x2000  }
0x8c: {  	[sflag:s21] =	ssyncset.done $0x0  }
0x8d: {  	[sflag:s21] =	ssyncadd.s32 $0xFFFFE000  }
0x8e: {  	v0 =	vld [tilespmem:s26+$0x14A00];
	_ =	sdelay $0x4  }
0x8f: {  	[tilespmem:$0x15400] =	vst v0  }
0x90: {  	v0 =	vld [tilespmem:s26+$0x14A10];
	_ =	sdelay $0x4  }
0x91: {  	[tilespmem:$0x15410] =	vst v0  }
0x92: {  	v0 =	vld [tilespmem:s26+$0x14A20];
	_ =	sdelay $0x4  }
0x93: {  	[tilespmem:$0x15420] =	vst v0  }
0x94: {  	v0 =	vld [tilespmem:s26+$0x14A30];
	_ =	sdelay $0x4  }
0x95: {  	[tilespmem:$0x15430] =	vst v0  }
0x96: {  	v0 =	vld [tilespmem:s26+$0x14A40];
	_ =	sdelay $0x4  }
0x97: {  	[tilespmem:$0x15440] =	vst v0  }
0x98: {  	v0 =	vld [tilespmem:s26+$0x14A50];
	_ =	sdelay $0x4  }
0x99: {  	[tilespmem:$0x15450] =	vst v0  }
0x9a: {  	v0 =	vld [tilespmem:s26+$0x14A60];
	_ =	sdelay $0x4  }
0x9b: {  	[tilespmem:$0x15460] =	vst v0  }
0x9c: {  	v0 =	vld [tilespmem:s26+$0x14A70];
	_ =	sdelay $0x4  }
0x9d: {  	[tilespmem:$0x15470] =	vst v0  }
0x9e: {  	[spmem:s3] =	stream.indirect.scatter.add.f32 [tilespmem:s19], [sflag:$0x3], $0x40, s22, s18, $0xb8;
	[tilespmem:$0x19480] =	vst v63  }
0x9f: {  	_ =	swait.ge [sflag:s14], $0x2000  }
0xa0: {  	[sflag:s14] =	ssyncset.done $0x0  }
0xa1: {  	s31 =	sadd.s32 $0x14100, s26;
	[sflag:s14] =	ssyncadd.s32 $0xFFFFE000  }
0xa2: {  	[tilespmem:s19], [sflag:$0x1] =	stream.indirect.gather [spmem:s4], $0x40, s31, s18, $0xb8;
	[tilespmem:$0x19480] =	vst v63  }
0xa3: {  	_ =	swait.ge [sflag:s23], $0x2000  }
0xa4: {  	[sflag:s23] =	ssyncset.done $0x0  }
0xa5: {  	[sflag:s23] =	ssyncadd.s32 $0xFFFFE000  }
0xa6: {  	v51 =	vld [tilespmem:s26+$0x14A80];
	_ =	sdelay $0x4  }
0xa7: {  	[tilespmem:$0x15400] =	vst v51  }
0xa8: {  	v0 =	vld [tilespmem:s26+$0x14A90];
	_ =	sdelay $0x4  }
0xa9: {  	[tilespmem:$0x15410] =	vst v0  }
0xaa: {  	v0 =	vld [tilespmem:s26+$0x14AA0];
	_ =	sdelay $0x4  }
0xab: {  	[tilespmem:$0x15420] =	vst v0  }
0xac: {  	v0 =	vld [tilespmem:s26+$0x14AB0];
	_ =	sdelay $0x4  }
0xad: {  	[tilespmem:$0x15430] =	vst v0  }
0xae: {  	v0 =	vld [tilespmem:s26+$0x14AC0];
	_ =	sdelay $0x4  }
0xaf: {  	[tilespmem:$0x15440] =	vst v0  }
0xb0: {  	v0 =	vld [tilespmem:s26+$0x14AD0];
	_ =	sdelay $0x4  }
0xb1: {  	[tilespmem:$0x15450] =	vst v0  }
0xb2: {  	v0 =	vld [tilespmem:s26+$0x14AE0];
	_ =	sdelay $0x4  }
0xb3: {  	[tilespmem:$0x15460] =	vst v0  }
0xb4: {  	v0 =	vld [tilespmem:s26+$0x14AF0];
	_ =	sdelay $0x4  }
0xb5: {  	[tilespmem:$0x15470] =	vst v0  }
0xb6: {  	[spmem:s3] =	stream.indirect.scatter.add.f32 [tilespmem:s20], [sflag:$0x3], $0x40, s22, s18, $0xb8;
	[tilespmem:$0x19480] =	vst v63  }
0xb7: {  	_ =	swait.ge [sflag:s14], $0x2000  }
0xb8: {  	[sflag:s14] =	ssyncset.done $0x0  }
0xb9: {  	[sflag:s14] =	ssyncadd.s32 $0xFFFFE000  }
0xba: {  	[tilespmem:s20], [sflag:$0x2] =	stream.indirect.gather [spmem:s4], $0x40, s24, s18, $0xb8;
	[tilespmem:$0x19480] =	vst v63  }
0xbb: {  	_ =	swait.ge [sflag:s21], $0x2000  }
0xbc: {  	[sflag:s21] =	ssyncset.done $0x0  }
0xbd: {  	[sflag:s21] =	ssyncadd.s32 $0xFFFFE000  }
0xbe: {  	v52 =	vld [tilespmem:$0x15300]  }
0xbf: {  	v1 =	vld [tilespmem:$0x15310]  }
0xc0: {  	v2 =	vld [tilespmem:$0x15320]  }
0xc1: {  	v3 =	vld [tilespmem:$0x15330]  }
0xc2: {  	v4 =	vld [tilespmem:$0x15340]  }
0xc3: {  	v53 =	vld [tilespmem:$0x15350];
	[tilespmem:$0x15400] =	vst v52  }
0xc4: {  	v54 =	vld [tilespmem:$0x15360];
	[tilespmem:$0x15410] =	vst v1  }
0xc5: {  	v55 =	vld [tilespmem:$0x15370];
	[tilespmem:$0x15420] =	vst v2  }
0xc6: {  	[tilespmem:$0x15430] =	vst v3  }
0xc7: {  	[tilespmem:$0x15440] =	vst v4  }
0xc8: {  	[tilespmem:$0x15450] =	vst v53  }
0xc9: {  	[tilespmem:$0x15460] =	vst v54  }
0xca: {  	[tilespmem:$0x15470] =	vst v55  }
0xcb: {  	[spmem:s3] =	stream.indirect.scatter.add.f32 [tilespmem:s19], [sflag:$0x3], $0x40, s22, s18, $0xb8;
	[tilespmem:$0x19480] =	vst v63  }
0xcc: {  	_ =	swait.ge [sflag:s14], $0x2000  }
0xcd: {  	[sflag:s14] =	ssyncset.done $0x0  }
0xce: {  	[sflag:s14] =	ssyncadd.s32 $0xFFFFE000  }
0xcf: {  	_ =	swait.ge [sflag:s23], $0x2000  }
0xd0: {  	[sflag:s23] =	ssyncset.done $0x0  }
0xd1: {  	[sflag:s23] =	ssyncadd.s32 $0xFFFFE000  }
0xd2: {  	v56 =	vld [tilespmem:$0x15380]  }
0xd3: {  	v57 =	vld [tilespmem:$0x15390]  }
0xd4: {  	v58 =	vld [tilespmem:$0x153A0]  }
0xd5: {  	v59 =	vld [tilespmem:$0x153B0]  }
0xd6: {  	v60 =	vld [tilespmem:$0x153C0]  }
0xd7: {  	v61 =	vld [tilespmem:$0x153D0];
	[tilespmem:$0x15400] =	vst v56  }
0xd8: {  	v62 =	vld [tilespmem:$0x153E0];
	[tilespmem:$0x15410] =	vst v57  }
0xd9: {  	v63 =	vld [tilespmem:$0x153F0];
	[tilespmem:$0x15420] =	vst v58  }
0xda: {  	[tilespmem:$0x15430] =	vst v59  }
0xdb: {  	[tilespmem:$0x15440] =	vst v60  }
0xdc: {  	s25 =	sadd.s32 $0x1, s25;
	[tilespmem:$0x15450] =	vst v61  }
0xdd: {  	p0 =	sne.s32 s25, $0x8;
	[tilespmem:$0x15460] =	vst v62  }
.Ltmp1:
0xde: {  	[tilespmem:$0x15470] =	vst v63;
	(pc) =	sbr.rel @p0 .LBB2_2-.Ltmp1, $4  }
0xdf: {  	[spmem:s3] =	stream.indirect.scatter.add.f32 [tilespmem:s20], [sflag:$0x3], $0x40, s22, s18, $0xb8;
	[tilespmem:$0x19480] =	vst v63  }
0xe0: {  	_ =	swait.ge [sflag:s14], $0x2000  }
0xe1: {  	[sflag:s14] =	ssyncset.done $0x0  }
0xe2: {  	[sflag:s14] =	ssyncadd.s32 $0xFFFFE000  }
0xe3: {  	s5 =	sadd.s32 $0x1, s5  }
0xe4: {  	p0 =	sne.s32 s5, s12  }
.Ltmp2:
0xe5: {  	[bflag:$0x0] =	sbarrier.arrive $0xFFFF;
	(pc) =	sbr.rel @p0 .LBB2_1-.Ltmp2, $4  }
0xe6: {  	[hbm:s11], [sflag:s8] =	dma.local [spmem:s13], $0x1400  }
0xe7: {  	_ =	swait.ge [sflag:s14], $0x1400  }
0xe8: {  	[sflag:s14] =	ssyncset.done $0x0  }
0xe9: {  	[sflag:s14] =	ssyncadd.s32 $0xFFFFEC00  }
0xea: {  	_ =	sfence.sel $0x180000  }
0xeb: {  	[bflag:$0x0] =	sbarrier.arrive $0xFFFF  }
0xec: {  	p0 =	sne.s32 s0, $0x0;
	_ =	strace $0x9000004A  }
0xed: {  	s0 =	sadd.s32 @!p0 $0x100000, s2;
	[bflag:$0x2] =	sbarrier.arrive $0xFFFF  }
0xee: {  	[sflag:s0] =	ssyncadd.tile.s32 @!p0 $0x1;
	_ =	shalt  }
.Lfunc_end2:
_tile_overlayer_lowered:
.L_overlay_start_2:
0xef: {  	(tag) =	ssettag $0x2  }
0xf0: {  	s0 =	rddreg [dreg:$0x0];
	s2 =	stileid.u32  }
0xf1: {  	s1 =	rddreg [dreg:$0x1];
	p0 =	sne.s32 s2, $0x0  }
0xf2: {  	s3 =	rddreg [dreg:$0x2];
	[bflag:$0x3] =	sbarrier.arrive $0xFFFF;
	s2 =	simm.s32 @!p0 $0x1C03  }
0xf3: {  	[timem:s3], [sflag:s2] =	dma.local @!p0 [hbm:s0], s1  }
0xf4: {  	s0 =	simm.s32 @!p0 $0x3  }
0xf5: {  	_ =	swait.ge @!p0 [sflag:s0], s1  }
0xf6: {  	s1 =	ssub.s32 @!p0 $0x0, s1;
	[sflag:s0] =	ssyncset.done @!p0 $0x0  }
0xf7: {  	[sflag:s0] =	ssyncadd.s32 @!p0 s1  }
0xf8: {  	[bflag:$0x3] =	sbarrier.arrive $0xFFFF  }
0xf9: {  	_ =	shalt  }

// kernel: kernel.14.cloned.1.call-start
scs
__scs_entry_jumppad:
0x0: {  	(pc) =	sbr.rel $0x88, $3  }
0x1: {  	(tag) =	ssettag $0x0;
	lr =	simm.s32 $0x1  }
0x2: {  	[smem:$0x3F9B] =	sst lr;
	_ =	strace $0xD0000000  }
0x3: {  	_ = 	snop  }
0x4: {  	_ = 	snop  }
0x5: {  	_ = 	snop  }
0x6: {  	_ = 	snop  }
0x7: {  	_ = 	snop  }
__scs_overlays_trampoline_lowered:
0x8: {  	[smem:$0x3FAA] =	sst s0  }
0x9: {  	[smem:$0x3FAB] =	sst s1  }
0xa: {  	[smem:$0x3FAC] =	sst s2  }
0xb: {  	[smem:$0x3FAD] =	sst s3  }
0xc: {  	[smem:$0x3FAE] =	sst s4  }
0xd: {  	[smem:$0x3FAF] =	sst s5  }
0xe: {  	[smem:$0x3FB0] =	sst s6  }
0xf: {  	[smem:$0x3FB1] =	sst s7  }
0x10: {  	[smem:$0x3FB2] =	sst s8  }
0x11: {  	[smem:$0x3FB3] =	sst s9;
	s0 =	simm.s32 @!p0 $0x0  }
0x12: {  	s1 =	sld [smem:$0x3F99];
	s0 =	simm.s32 @p0 $0x1  }
0x13: {  	[smem:$0x3FB4] =	sst s0;
	s0 =	simm.s32 @!p1 $0x0  }
0x14: {  	s2 =	sld [smem:$0x3F98];
	s0 =	simm.s32 @p1 $0x1  }
0x15: {  	[smem:$0x3FB5] =	sst s0;
	s0 =	simm.s32 @!p2 $0x0  }
0x16: {  	s3 =	sld [smem:$0x3FDB];
	s0 =	simm.s32 @p2 $0x1  }
0x17: {  	s4 =	simm.s32 $0x1BF5;
	[smem:$0x3FB7] =	sst s0  }
0x18: {  	s0 =	sld [smem:$0x3F9A];
	_ =	swait.ge [sflag:s4], $0x0  }
0x19: {  	s7 =	sld [smem:$0x3F9B]  }
0x1a: {  	s8 =	sadd.s32 $0xFFFFE003, lr  }
0x1b: {  	s9 =	sadd.s32 $0xFFFFFEF7, lr;
	s5 =	simm.s32 $0xFFFFFFFF;
	p2 =	slt.u32 s8, $0xFFFFF086  }
0x1c: {  	p1 =	slt.u32 s9, $0xF7A;
	s5 =	simm.s32 @!p2 $0x0  }
0x1d: {  	s5 =	simm.s32 @p1 $0x1;
	p0 =	seq.s32 s7, s2  }
0x1e: {  	s7 =	smul.u32 @!p0 $0xF7A, s2;
	p2 =	seq.s32 @!p0 s5, $0x0  }
0x1f: {  	s9 =	smul.u32 $0xF7A, s1;
	s8 =	simm.s32 @!p0 $0x1BF5;
	p2 =	por !p2, p0  }
0x20: {  	[sflag:s8] =	ssyncset.s32 @!p0 $0xFFFFF086;
	s6 =	sadd.s32 @!p0 s3, s7;
	s7 =	simm.s32 @!p0 $0x108  }
0x21: {  	s3 =	sadd.s32 s3, s9;
	s6 =	sadd.s32 @!p0 $0x88, s6;
	s7 =	simm.s32 @p2 $0x1082  }
0x22: {  	[simem:s7], [sflag:s8] =	dma.local @!p0 [hbm:s6], $0xF7A  }
0x23: {  	s9 =	sor.u32 $0xD0000000, s2;
	s6 =	simm.s32 $0x108;
	_ =	swait.ge @!p0 [sflag:s8], $0x0  }
0x24: {  	s3 =	sadd.s32 $0x88, s3;
	s6 =	simm.s32 @!p1 $0x1082;
	[sflag:s4] =	ssyncset.s32 $0xFFFFF086  }
0x25: {  	[simem:s6], [sflag:s4] =	dma.local [hbm:s3], $0xF7A  }
0x26: {  	[smem:$0x3F9B] =	sst s1;
	(tag) =	ssettag s2;
	_ =	strace s9  }
0x27: {  	s1 =	sld [smem:$0x3FAB]  }
0x28: {  	s2 =	sld [smem:$0x3FAC]  }
0x29: {  	s4 =	sld [smem:$0x3FAE]  }
0x2a: {  	p0 =	seq.s32 s5, $0x0;
	s5 =	sld [smem:$0x3FAF]  }
0x2b: {  	s6 =	sld [smem:$0x3FB0]  }
0x2c: {  	s7 =	sld [smem:$0x3FB1]  }
0x2d: {  	s3 =	simm.s32 $0x108;
	s8 =	sld [smem:$0x3FB2]  }
0x2e: {  	s3 =	simm.s32 @!p0 $0x1082;
	s9 =	sld [smem:$0x3FB3]  }
0x2f: {  	lr =	sadd.s32 s0, s3;
	s0 =	sld [smem:$0x3FAA]  }
0x30: {  	s3 =	sld [smem:$0x3FAD]  }
0x31: {  	[smem:$0x3FB6] =	sst s10  }
0x32: {  	s10 =	sld [smem:$0x3FB4];
	_ =	sdelay $0x3  }
0x33: {  	p0 =	seq.s32 s10, $0x1;
	s10 =	sld [smem:$0x3FB6];
	_ =	sdelay $0x3  }
0x34: {  	[smem:$0x3FB6] =	sst s10  }
0x35: {  	s10 =	sld [smem:$0x3FB5];
	_ =	sdelay $0x3  }
0x36: {  	p1 =	seq.s32 s10, $0x1;
	s10 =	sld [smem:$0x3FB6];
	_ =	sdelay $0x3  }
0x37: {  	[smem:$0x3FB6] =	sst s10  }
0x38: {  	s10 =	sld [smem:$0x3FB7]  }
0x39: {  	_ = 	snop;
	(pc) =	sbr.ind lr, $3  }
0x3a: {  	_ = 	snop  }
0x3b: {  	_ = 	snop  }
0x3c: {  	p2 =	seq.s32 s10, $0x1;
	s10 =	sld [smem:$0x3FB6]  }
0x3d: {  	_ =	shalt  }
0x3e: {  	_ =	shalt  }
0x3f: {  	_ =	shalt  }
0x40: {  	_ =	shalt  }
0x41: {  	_ =	shalt  }
0x42: {  	_ =	shalt  }
0x43: {  	_ =	shalt  }
0x44: {  	_ =	shalt  }
0x45: {  	_ =	shalt  }
0x46: {  	_ =	shalt  }
0x47: {  	_ =	shalt  }
0x48: {  	_ =	shalt  }
0x49: {  	_ =	shalt  }
0x4a: {  	_ =	shalt  }
0x4b: {  	_ =	shalt  }
0x4c: {  	_ =	shalt  }
0x4d: {  	_ =	shalt  }
0x4e: {  	_ =	shalt  }
0x4f: {  	_ =	shalt  }
0x50: {  	_ =	shalt  }
0x51: {  	_ =	shalt  }
0x52: {  	_ =	shalt  }
0x53: {  	_ =	shalt  }
0x54: {  	_ =	shalt  }
0x55: {  	_ =	shalt  }
0x56: {  	_ =	shalt  }
0x57: {  	_ =	shalt  }
0x58: {  	_ =	shalt  }
0x59: {  	_ =	shalt  }
0x5a: {  	_ =	shalt  }
0x5b: {  	_ =	shalt  }
0x5c: {  	_ =	shalt  }
0x5d: {  	_ =	shalt  }
0x5e: {  	_ =	shalt  }
0x5f: {  	_ =	shalt  }
0x60: {  	_ =	shalt  }
0x61: {  	_ =	shalt  }
0x62: {  	_ =	shalt  }
0x63: {  	_ =	shalt  }
0x64: {  	_ =	shalt  }
0x65: {  	_ =	shalt  }
0x66: {  	_ =	shalt  }
0x67: {  	_ =	shalt  }
0x68: {  	_ =	shalt  }
0x69: {  	_ =	shalt  }
0x6a: {  	_ =	shalt  }
0x6b: {  	_ =	shalt  }
0x6c: {  	_ =	shalt  }
0x6d: {  	_ =	shalt  }
0x6e: {  	_ =	shalt  }
0x6f: {  	_ =	shalt  }
0x70: {  	_ =	shalt  }
0x71: {  	_ =	shalt  }
0x72: {  	_ =	shalt  }
0x73: {  	_ =	shalt  }
0x74: {  	_ =	shalt  }
0x75: {  	_ =	shalt  }
0x76: {  	_ =	shalt  }
0x77: {  	_ =	shalt  }
0x78: {  	_ =	shalt  }
0x79: {  	_ =	shalt  }
0x7a: {  	_ =	shalt  }
0x7b: {  	_ =	shalt  }
0x7c: {  	_ =	shalt  }
0x7d: {  	_ =	shalt  }
0x7e: {  	_ =	shalt  }
0x7f: {  	_ =	shalt  }
0x80: {  	_ =	shalt  }
0x81: {  	_ =	shalt  }
0x82: {  	_ =	shalt  }
0x83: {  	_ =	shalt  }
0x84: {  	_ =	shalt  }
0x85: {  	_ =	shalt  }
0x86: {  	_ =	shalt  }
0x87: {  	_ =	shalt  }
.Lfunc_end0:
.L_simem_size_0:
called_computation.2_lowered:
.L_overlay_start_0:
0x88: {  	s2 =	sld [smem:$0x3FD9]  }
0x89: {  	s3 =	sld [smem:$0x3FFE];
	_ =	sdelay $0x1  }
0x8a: {  	s1 =	srdreg.scid  }
0x8b: {  	s0 =	sand.u32 $0x1, s1  }
0x8c: {  	s17 =	sshll.u32 s0, $0xA;
	s2 =	sadd.s32 s3, s2  }
0x8d: {  	s2 =	sadd.s32 s2, s17  }
0x8e: {  	[smem:$0x3FC2] =	sst s2  }
0x8f: {  	_ = 	snop  }
0x90: {  	s2 =	sld [smem:$0x3FD0];
	(tm) =	ssettm $0x1  }
0x91: {  	s18 =	sld [smem:$0x3FFB];
	_ =	sdelay $0x3  }
0x92: {  	_ =	strace s18  }
0x93: {  	s3 =	sld [smem:$0x3FFC];
	_ =	sdelay $0x3  }
0x94: {  	_ =	strace s3  }
0x95: {  	s3 =	sld [smem:$0x3FFD];
	_ =	sdelay $0x3  }
0x96: {  	_ =	strace s3  }
0x97: {  	_ =	strace $0x8FFFFFFF  }
0x98: {  	s19 =	sld [smem:$0x3FDB];
	_ =	sdelay $0x1  }
0x99: {  	s4 =	simm.s32 $_scs_section_size  }
0x9a: {  	s5 =	simm.s32 $_size__tile_overlayer_lowered;
	s6 =	simm.s32 $_tile_overlayer_lowered  }
0x9b: {  	s22 =	simm.s32 $0x1BFF;
	s21 =	sshll.u32 s6, $0x1;
	s3 =	sadd.s32 s4, s19  }
0x9c: {  	s7 =	simm.s32 $0x0;
	s20 =	sshll.u32 s5, $0x1;
	s5 =	sadd.s32 s21, s3  }
0x9d: {  	[timem:s7], [sflag:s22] =	dma.local [hbm:s5], s20  }
0x9e: {  	_ =	swait.ge [sflag:s22], s20  }
0x9f: {  	s4 =	ssub.s32 $0x0, s20;
	[sflag:s22] =	ssyncset.done $0x0  }
0xa0: {  	[sflag:s22] =	ssyncadd.s32 s4;
	_ =	sdelay $0x1  }
0xa1: {  	s23 =	simm.s32 $0x1B8B  }
0xa2: {  	_ =	swait.ge [sflag:s23], $0x1  }
0xa3: {  	[sflag:s23] =	ssyncset.done $0x0  }
0xa4: {  	s25 =	simm.s32 $0x1B8E;
	s24 =	sld [smem:$0x3FFE];
	[sflag:s23] =	ssyncadd.s32 $0xFFFFFFFF  }
0xa5: {  	s26 =	simm.s32 $execute0_lowered;
	[smem:$0x3FD2] =	sst s25  }
0xa6: {  	s5 =	sshll.u32 s26, $0x1;
	_ =	strace $0x8000004C;
	[dreg:$0x1] =	wrdreg $0xFFFFFFFF  }
0xa7: {  	s28 =	simm.s32 $_size_execute0_lowered;
	s3 =	sadd.s32 s3, s5;
	[dreg:$0x0] =	wrdreg $0x0  }
0xa8: {  	s5 =	sshll.u32 s28, $0x1;
	[dreg:$0x2] =	wrdreg s3  }
0xa9: {  	[dreg:$0x3] =	wrdreg s5  }
0xaa: {  	[dreg:$0x4] =	wrdreg $0xC0  }
0xab: {  	_ =	task [dreg:s7], $0x5FFFF  }
0xac: {  	[dreg:$0x1] =	wrdreg $0xFFFFFFFF  }
0xad: {  	[dreg:$0x0] =	wrdreg $0x60  }
0xae: {  	[dreg:$0x2] =	wrdreg s24  }
0xaf: {  	[dreg:$0x3] =	wrdreg s2  }
0xb0: {  	[dreg:$0x4] =	wrdreg $0xA0000  }
0xb1: {  	[dreg:$0x5] =	wrdreg $0x0  }
0xb2: {  	[dreg:$0x6] =	wrdreg $0x9  }
0xb3: {  	_ =	task.clear_ibuf [dreg:s7], $0x7FFFF;
	_ =	strace $0x9000004C  }
0xb4: {  	s29 =	simm.s32 $0x9;
	_ =	strace $0x8000004E  }
0xb5: {  	_ =	swait.ge [sflag:s29], $0x1  }
0xb6: {  	[sflag:s29] =	ssyncadd.s32 $0xFFFFFFFF  }
0xb7: {  	_ =	strace $0x9000004E  }
0xb8: {  	_ =	sfence  }
0xb9: {  	s30 =	sld [smem:$0x0];
	_ =	sdelay $0x2  }
0xba: {  	s31 =	sshll.u32 s1, $0xD;
	s1 =	sshrl.u32 s1, $0x2  }
0xbb: {  	s3 =	sand.u32 $0x4000, s31;
	s1 =	sadd.s32 s1, s30  }
0xbc: {  	s0 =	sor.u32 s3, s0;
	s1 =	sshll.u32 s1, $0x11  }
0xbd: {  	s0 =	sor.u32 s1, s0  }
0xbe: {  	s0 =	sadd.s32 $0x8F2B, s0  }
0xbf: {  	[sflag:s0] =	ssyncadd.remote.s32 $0x1  }
0xc0: {  	_ =	sfence.sel $0xFFFF  }
0xc1: {  	[dreg:$0x0] =	wrdreg $0xFFFFFFFF;
	(pc) =	sbr.abs _section_cstart, $3  }
0xc2: {  	[dreg:$0x1] =	wrdreg $0xFFFFFFFF  }
0xc3: {  	_ =	task.clear_ibuf [dreg:s7], $0x2FFFF;
	_ =	strace $0x9FFFFFFF  }
0xc4: {  	(tm) =	ssettm $0x7FFFFFFF  }
0xc5: {  	_ =	shalt  }
tec
execute0_lowered:
.L_overlay_start_1:
0x0: {  	(tag) =	ssettag $0x1  }
0x1: {  	s8 =	rddreg [dreg:$0x0]  }
0x2: {  	s1 =	rddreg [dreg:$0x1]  }
0x3: {  	s3 =	rddreg [dreg:$0x2]  }
0x4: {  	s2 =	srdreg.scid;
	s0 =	stileid.u32  }
0x5: {  	s4 =	rddreg [dreg:$0x3];
	s5 =	simm.s32 $0x0;
	s16 =	simm.s32 $0x14000  }
0x6: {  	s17 =	simm.s32 $0x14A00;
	s18 =	simm.s32 $0x80;
	s19 =	simm.s32 $0x15480  }
0x7: {  	s20 =	simm.s32 $0x17480;
	s21 =	simm.s32 $0x1;
	s22 =	simm.s32 $0x15400  }
0x8: {  	s23 =	simm.s32 $0x2;
	s7 =	sand.u32 $0x1, s2;
	s2 =	rddreg [dreg:$0x4]  }
0x9: {  	s24 =	simm.s32 $0x14980;
	s9 =	smul.u32 $0xA000, s0;
	[smem:$0x7FF] =	sst s5  }
0xa: {  	s31 =	sshll.u32 s0, $0x6;
	s6 =	smul.u32 $0xA0000, s7;
	s11 =	ssub.s32 $0x2, s7  }
0xb: {  	_ =	strace $0x8000004D;
	s7 =	sadd.s32 $0x51C00, s8;
	s30 =	sshrl.u32 s11, $0x1  }
0xc: {  	s14 =	sadd.s32 s9, s3;
	s15 =	sadd.s32 s9, s4;
	s10 =	sadd.s32 s9, s6  }
0xd: {  	s6 =	sadd.s32 $0x54C00, s8;
	s13 =	ssub.s32 s11, s30;
	s10 =	sshrl.u32 s10, $0x3  }
0xe: {  	s15 =	sshrl.u32 s15, $0x3;
	s12 =	sadd.s32 s10, s8;
	s8 =	sor.u32 $0x1C03, s31  }
0xf: {  	s10 =	smul.u32 $0x5000, s0;
	s9 =	sadd.s32 $0x5EC00, s12;
	s11 =	sadd.s32 $0x86C00, s12  }
0x10: {  	s12 =	smax.u32 s13, $0x1;
	s13 =	sshrl.u32 s14, $0x3;
	s14 =	simm.s32 $0x3  }
.LBB2_1:
0x11: {  	[spmem:s13], [sflag:s8] =	dma.local [hbm:s7], $0x1400  }
0x12: {  	_ =	swait.ge [sflag:s14], $0x1400  }
0x13: {  	[sflag:s14] =	ssyncset.done $0x0  }
0x14: {  	[sflag:s14] =	ssyncadd.s32 $0xFFFFEC00  }
0x15: {  	[spmem:s15], [sflag:s8] =	dma.local [hbm:s9], $0x1400  }
0x16: {  	_ =	swait.ge [sflag:s14], $0x1400  }
0x17: {  	[sflag:s14] =	ssyncset.done $0x0  }
0x18: {  	[sflag:s14] =	ssyncadd.s32 $0xFFFFEC00  }
0x19: {  	s25 =	simm.s32 $0x0;
	[bflag:$0x0] =	sbarrier.arrive $0xFFFF  }
.LBB2_2:
0x1a: {  	s26 =	smul.u32 $0xA00, s25;
	_ =	sdelay $0x1  }
0x1b: {  	s26 =	sadd.s32 s10, s26  }
0x1c: {  	s26 =	sshrl.u32 s26, $0x3  }
0x1d: {  	s29 =	simm.s32 $0x0;
	s28 =	sadd.s32 s1, s26  }
0x1e: {  	[tilespmem:s16], [sflag:$0x3] =	stream.linear.gather [hbm4b:s28+s29], $0xA00, $0x38;
	[tilespmem:$0x19480] =	vst v63  }
0x1f: {  	_ =	swait.ge [sflag:s14], $0xA00  }
0x20: {  	[sflag:s14] =	ssyncset.done $0x0  }
0x21: {  	s26 =	sadd.s32 s6, s26;
	[sflag:s14] =	ssyncadd.s32 $0xFFFFF600  }
0x22: {  	[tilespmem:s17], [sflag:$0x3] =	stream.linear.gather [hbm4b:s26+s29], $0xA00, $0x38;
	[tilespmem:$0x19480] =	vst v63  }
0x23: {  	_ =	swait.ge [sflag:s14], $0xA00  }
0x24: {  	[sflag:s14] =	ssyncset.done $0x0  }
0x25: {  	[sflag:s14] =	ssyncadd.s32 $0xFFFFF600  }
0x26: {  	[tilespmem:s19], [sflag:$0x1] =	stream.indirect.gather [spmem:s4], $0x40, s16, s18, $0xb8;
	[tilespmem:$0x19480] =	vst v63  }
0x27: {  	s28 =	simm.s32 $0x14080  }
0x28: {  	[tilespmem:s20], [sflag:$0x2] =	stream.indirect.gather [spmem:s4], $0x40, s28, s18, $0xb8;
	[tilespmem:$0x19480] =	vst v63  }
0x29: {  	_ =	swait.ge [sflag:s21], $0x2000  }
0x2a: {  	[sflag:s21] =	ssyncset.done $0x0  }
0x2b: {  	s29 =	simm.s32 $0x0;
	[sflag:s21] =	ssyncadd.s32 $0xFFFFE000  }
0x2c: {  	v0 =	vld [tilespmem:s29+$0x14A00];
	_ =	sdelay $0x4  }
0x2d: {  	[tilespmem:$0x15400] =	vst v0  }
0x2e: {  	v0 =	vld [tilespmem:s29+$0x14A10];
	_ =	sdelay $0x4  }
0x2f: {  	[tilespmem:$0x15410] =	vst v0  }
0x30: {  	v0 =	vld [tilespmem:s29+$0x14A20];
	_ =	sdelay $0x4  }
0x31: {  	[tilespmem:$0x15420] =	vst v0  }
0x32: {  	v0 =	vld [tilespmem:s29+$0x14A30];
	_ =	sdelay $0x4  }
0x33: {  	[tilespmem:$0x15430] =	vst v0  }
0x34: {  	v0 =	vld [tilespmem:s29+$0x14A40];
	_ =	sdelay $0x4  }
0x35: {  	[tilespmem:$0x15440] =	vst v0  }
0x36: {  	v0 =	vld [tilespmem:s29+$0x14A50];
	_ =	sdelay $0x4  }
0x37: {  	[tilespmem:$0x15450] =	vst v0  }
0x38: {  	v0 =	vld [tilespmem:s29+$0x14A60];
	_ =	sdelay $0x4  }
0x39: {  	[tilespmem:$0x15460] =	vst v0  }
0x3a: {  	v0 =	vld [tilespmem:s29+$0x14A70];
	_ =	sdelay $0x4  }
0x3b: {  	[tilespmem:$0x15470] =	vst v0  }
0x3c: {  	[spmem:s3] =	stream.indirect.scatter.add.f32 [tilespmem:s19], [sflag:$0x3], $0x40, s22, s18, $0xb8;
	[tilespmem:$0x19480] =	vst v63  }
0x3d: {  	_ =	swait.ge [sflag:s14], $0x2000  }
0x3e: {  	[sflag:s14] =	ssyncset.done $0x0  }
0x3f: {  	s31 =	simm.s32 $0x14100;
	[sflag:s14] =	ssyncadd.s32 $0xFFFFE000  }
0x40: {  	[tilespmem:s19], [sflag:$0x1] =	stream.indirect.gather [spmem:s4], $0x40, s31, s18, $0xb8;
	[tilespmem:$0x19480] =	vst v63  }
0x41: {  	_ =	swait.ge [sflag:s23], $0x2000  }
0x42: {  	[sflag:s23] =	ssyncset.done $0x0  }
0x43: {  	[sflag:s23] =	ssyncadd.s32 $0xFFFFE000  }
0x44: {  	v63 =	vld [tilespmem:s29+$0x14A80];
	_ =	sdelay $0x4  }
0x45: {  	[tilespmem:$0x15400] =	vst v63  }
0x46: {  	v0 =	vld [tilespmem:s29+$0x14A90];
	_ =	sdelay $0x4  }
0x47: {  	[tilespmem:$0x15410] =	vst v0  }
0x48: {  	v0 =	vld [tilespmem:s29+$0x14AA0];
	_ =	sdelay $0x4  }
0x49: {  	[tilespmem:$0x15420] =	vst v0  }
0x4a: {  	v0 =	vld [tilespmem:s29+$0x14AB0];
	_ =	sdelay $0x4  }
0x4b: {  	[tilespmem:$0x15430] =	vst v0  }
0x4c: {  	v0 =	vld [tilespmem:s29+$0x14AC0];
	_ =	sdelay $0x4  }
0x4d: {  	[tilespmem:$0x15440] =	vst v0  }
0x4e: {  	v0 =	vld [tilespmem:s29+$0x14AD0];
	_ =	sdelay $0x4  }
0x4f: {  	[tilespmem:$0x15450] =	vst v0  }
0x50: {  	v0 =	vld [tilespmem:s29+$0x14AE0];
	_ =	sdelay $0x4  }
0x51: {  	[tilespmem:$0x15460] =	vst v0  }
0x52: {  	v0 =	vld [tilespmem:s29+$0x14AF0];
	_ =	sdelay $0x4  }
0x53: {  	[tilespmem:$0x15470] =	vst v0  }
0x54: {  	[spmem:s3] =	stream.indirect.scatter.add.f32 [tilespmem:s20], [sflag:$0x3], $0x40, s22, s18, $0xb8;
	[tilespmem:$0x19480] =	vst v63  }
0x55: {  	_ =	swait.ge [sflag:s14], $0x2000  }
0x56: {  	s30 =	simm.s32 $0x800;
	s26 =	simm.s32 $0x100;
	[sflag:s14] =	ssyncset.done $0x0  }
.LBB2_3:
0x57: {  	s31 =	sadd.s32 $0x14080, s26  }
0x58: {  	[sflag:s14] =	ssyncadd.s32 $0xFFFFE000;
	s29 =	smov.u32 s30;
	s28 =	sadd.s32 $0x400, s30  }
0x59: {  	[tilespmem:s20], [sflag:$0x2] =	stream.indirect.gather [spmem:s4], $0x40, s31, s18, $0xb8;
	[tilespmem:$0x19480] =	vst v63  }
0x5a: {  	p0 =	sne.s32 s30, $0x2000;
	_ =	swait.ge [sflag:s21], $0x2000  }
0x5b: {  	[sflag:s21] =	ssyncset.done $0x0  }
0x5c: {  	[sflag:s21] =	ssyncadd.s32 $0xFFFFE000  }
0x5d: {  	v0 =	vld [tilespmem:s26+$0x14A00];
	_ =	sdelay $0x4  }
0x5e: {  	[tilespmem:$0x15400] =	vst v0  }
0x5f: {  	v0 =	vld [tilespmem:s26+$0x14A10];
	_ =	sdelay $0x4  }
0x60: {  	[tilespmem:$0x15410] =	vst v0  }
0x61: {  	v0 =	vld [tilespmem:s26+$0x14A20];
	_ =	sdelay $0x4  }
0x62: {  	[tilespmem:$0x15420] =	vst v0  }
0x63: {  	v0 =	vld [tilespmem:s26+$0x14A30];
	_ =	sdelay $0x4  }
0x64: {  	[tilespmem:$0x15430] =	vst v0  }
0x65: {  	v0 =	vld [tilespmem:s26+$0x14A40];
	_ =	sdelay $0x4  }
0x66: {  	[tilespmem:$0x15440] =	vst v0  }
0x67: {  	v0 =	vld [tilespmem:s26+$0x14A50];
	_ =	sdelay $0x4  }
0x68: {  	[tilespmem:$0x15450] =	vst v0  }
0x69: {  	v0 =	vld [tilespmem:s26+$0x14A60];
	_ =	sdelay $0x4  }
0x6a: {  	[tilespmem:$0x15460] =	vst v0  }
0x6b: {  	v0 =	vld [tilespmem:s26+$0x14A70];
	_ =	sdelay $0x4  }
0x6c: {  	[tilespmem:$0x15470] =	vst v0  }
0x6d: {  	[spmem:s3] =	stream.indirect.scatter.add.f32 [tilespmem:s19], [sflag:$0x3], $0x40, s22, s18, $0xb8;
	[tilespmem:$0x19480] =	vst v63  }
0x6e: {  	_ =	swait.ge [sflag:s14], $0x2000  }
0x6f: {  	[sflag:s14] =	ssyncset.done $0x0  }
0x70: {  	s30 =	sadd.s32 $0x14100, s26;
	[sflag:s14] =	ssyncadd.s32 $0xFFFFE000  }
0x71: {  	[tilespmem:s19], [sflag:$0x1] =	stream.indirect.gather [spmem:s4], $0x40, s30, s18, $0xb8;
	[tilespmem:$0x19480] =	vst v63  }
0x72: {  	_ =	swait.ge [sflag:s23], $0x2000  }
0x73: {  	[sflag:s23] =	ssyncset.done $0x0  }
0x74: {  	[sflag:s23] =	ssyncadd.s32 $0xFFFFE000  }
0x75: {  	v0 =	vld [tilespmem:s26+$0x14A80];
	_ =	sdelay $0x4  }
0x76: {  	[tilespmem:$0x15400] =	vst v0  }
0x77: {  	v0 =	vld [tilespmem:s26+$0x14A90];
	_ =	sdelay $0x4  }
0x78: {  	[tilespmem:$0x15410] =	vst v0  }
0x79: {  	v0 =	vld [tilespmem:s26+$0x14AA0];
	_ =	sdelay $0x4  }
0x7a: {  	[tilespmem:$0x15420] =	vst v0  }
0x7b: {  	v0 =	vld [tilespmem:s26+$0x14AB0];
	_ =	sdelay $0x4  }
0x7c: {  	[tilespmem:$0x15430] =	vst v0  }
0x7d: {  	v0 =	vld [tilespmem:s26+$0x14AC0];
	_ =	sdelay $0x4  }
0x7e: {  	[tilespmem:$0x15440] =	vst v0  }
0x7f: {  	v0 =	vld [tilespmem:s26+$0x14AD0];
	_ =	sdelay $0x4  }
0x80: {  	[tilespmem:$0x15450] =	vst v0  }
0x81: {  	v0 =	vld [tilespmem:s26+$0x14AE0];
	_ =	sdelay $0x4  }
0x82: {  	[tilespmem:$0x15460] =	vst v0  }
0x83: {  	v0 =	vld [tilespmem:s26+$0x14AF0];
	_ =	sdelay $0x3  }
.Ltmp0:
0x84: {  	(pc) =	sbr.rel @p0 .LBB2_3-.Ltmp0, $4  }
0x85: {  	[tilespmem:$0x15470] =	vst v0  }
0x86: {  	[spmem:s3] =	stream.indirect.scatter.add.f32 [tilespmem:s20], [sflag:$0x3], $0x40, s22, s18, $0xb8;
	[tilespmem:$0x19480] =	vst v63  }
0x87: {  	_ =	swait.ge [sflag:s14], $0x2000  }
0x88: {  	s30 =	smov.u32 s28;
	s26 =	sshra.s32 s29, $0x2;
	[sflag:s14] =	ssyncset.done $0x0  }
0x89: {  	s28 =	sadd.s32 $0x14080, s26;
	[sflag:s14] =	ssyncadd.s32 $0xFFFFE000  }
0x8a: {  	[tilespmem:s20], [sflag:$0x2] =	stream.indirect.gather [spmem:s4], $0x40, s28, s18, $0xb8;
	[tilespmem:$0x19480] =	vst v63  }
0x8b: {  	_ =	swait.ge [sflag:s21], $0x2000  }
0x8c: {  	[sflag:s21] =	ssyncset.done $0x0  }
0x8d: {  	[sflag:s21] =	ssyncadd.s32 $0xFFFFE000  }
0x8e: {  	v0 =	vld [tilespmem:s26+$0x14A00];
	_ =	sdelay $0x4  }
0x8f: {  	[tilespmem:$0x15400] =	vst v0  }
0x90: {  	v0 =	vld [tilespmem:s26+$0x14A10];
	_ =	sdelay $0x4  }
0x91: {  	[tilespmem:$0x15410] =	vst v0  }
0x92: {  	v0 =	vld [tilespmem:s26+$0x14A20];
	_ =	sdelay $0x4  }
0x93: {  	[tilespmem:$0x15420] =	vst v0  }
0x94: {  	v0 =	vld [tilespmem:s26+$0x14A30];
	_ =	sdelay $0x4  }
0x95: {  	[tilespmem:$0x15430] =	vst v0  }
0x96: {  	v0 =	vld [tilespmem:s26+$0x14A40];
	_ =	sdelay $0x4  }
0x97: {  	[tilespmem:$0x15440] =	vst v0  }
0x98: {  	v0 =	vld [tilespmem:s26+$0x14A50];
	_ =	sdelay $0x4  }
0x99: {  	[tilespmem:$0x15450] =	vst v0  }
0x9a: {  	v0 =	vld [tilespmem:s26+$0x14A60];
	_ =	sdelay $0x4  }
0x9b: {  	[tilespmem:$0x15460] =	vst v0  }
0x9c: {  	v0 =	vld [tilespmem:s26+$0x14A70];
	_ =	sdelay $0x4  }
0x9d: {  	[tilespmem:$0x15470] =	vst v0  }
0x9e: {  	[spmem:s3] =	stream.indirect.scatter.add.f32 [tilespmem:s19], [sflag:$0x3], $0x40, s22, s18, $0xb8;
	[tilespmem:$0x19480] =	vst v63  }
0x9f: {  	_ =	swait.ge [sflag:s14], $0x2000  }
0xa0: {  	[sflag:s14] =	ssyncset.done $0x0  }
0xa1: {  	s31 =	sadd.s32 $0x14100, s26;
	[sflag:s14] =	ssyncadd.s32 $0xFFFFE000  }
0xa2: {  	[tilespmem:s19], [sflag:$0x1] =	stream.indirect.gather [spmem:s4], $0x40, s31, s18, $0xb8;
	[tilespmem:$0x19480] =	vst v63  }
0xa3: {  	_ =	swait.ge [sflag:s23], $0x2000  }
0xa4: {  	[sflag:s23] =	ssyncset.done $0x0  }
0xa5: {  	[sflag:s23] =	ssyncadd.s32 $0xFFFFE000  }
0xa6: {  	v51 =	vld [tilespmem:s26+$0x14A80];
	_ =	sdelay $0x4  }
0xa7: {  	[tilespmem:$0x15400] =	vst v51  }
0xa8: {  	v0 =	vld [tilespmem:s26+$0x14A90];
	_ =	sdelay $0x4  }
0xa9: {  	[tilespmem:$0x15410] =	vst v0  }
0xaa: {  	v0 =	vld [tilespmem:s26+$0x14AA0];
	_ =	sdelay $0x4  }
0xab: {  	[tilespmem:$0x15420] =	vst v0  }
0xac: {  	v0 =	vld [tilespmem:s26+$0x14AB0];
	_ =	sdelay $0x4  }
0xad: {  	[tilespmem:$0x15430] =	vst v0  }
0xae: {  	v0 =	vld [tilespmem:s26+$0x14AC0];
	_ =	sdelay $0x4  }
0xaf: {  	[tilespmem:$0x15440] =	vst v0  }
0xb0: {  	v0 =	vld [tilespmem:s26+$0x14AD0];
	_ =	sdelay $0x4  }
0xb1: {  	[tilespmem:$0x15450] =	vst v0  }
0xb2: {  	v0 =	vld [tilespmem:s26+$0x14AE0];
	_ =	sdelay $0x4  }
0xb3: {  	[tilespmem:$0x15460] =	vst v0  }
0xb4: {  	v0 =	vld [tilespmem:s26+$0x14AF0];
	_ =	sdelay $0x4  }
0xb5: {  	[tilespmem:$0x15470] =	vst v0  }
0xb6: {  	[spmem:s3] =	stream.indirect.scatter.add.f32 [tilespmem:s20], [sflag:$0x3], $0x40, s22, s18, $0xb8;
	[tilespmem:$0x19480] =	vst v63  }
0xb7: {  	_ =	swait.ge [sflag:s14], $0x2000  }
0xb8: {  	[sflag:s14] =	ssyncset.done $0x0  }
0xb9: {  	[sflag:s14] =	ssyncadd.s32 $0xFFFFE000  }
0xba: {  	[tilespmem:s20], [sflag:$0x2] =	stream.indirect.gather [spmem:s4], $0x40, s24, s18, $0xb8;
	[tilespmem:$0x19480] =	vst v63  }
0xbb: {  	_ =	swait.ge [sflag:s21], $0x2000  }
0xbc: {  	[sflag:s21] =	ssyncset.done $0x0  }
0xbd: {  	[sflag:s21] =	ssyncadd.s32 $0xFFFFE000  }
0xbe: {  	v52 =	vld [tilespmem:$0x15300]  }
0xbf: {  	v1 =	vld [tilespmem:$0x15310]  }
0xc0: {  	v2 =	vld [tilespmem:$0x15320]  }
0xc1: {  	v3 =	vld [tilespmem:$0x15330]  }
0xc2: {  	v4 =	vld [tilespmem:$0x15340]  }
0xc3: {  	v53 =	vld [tilespmem:$0x15350];
	[tilespmem:$0x15400] =	vst v52  }
0xc4: {  	v54 =	vld [tilespmem:$0x15360];
	[tilespmem:$0x15410] =	vst v1  }
0xc5: {  	v55 =	vld [tilespmem:$0x15370];
	[tilespmem:$0x15420] =	vst v2  }
0xc6: {  	[tilespmem:$0x15430] =	vst v3  }
0xc7: {  	[tilespmem:$0x15440] =	vst v4  }
0xc8: {  	[tilespmem:$0x15450] =	vst v53  }
0xc9: {  	[tilespmem:$0x15460] =	vst v54  }
0xca: {  	[tilespmem:$0x15470] =	vst v55  }
0xcb: {  	[spmem:s3] =	stream.indirect.scatter.add.f32 [tilespmem:s19], [sflag:$0x3], $0x40, s22, s18, $0xb8;
	[tilespmem:$0x19480] =	vst v63  }
0xcc: {  	_ =	swait.ge [sflag:s14], $0x2000  }
0xcd: {  	[sflag:s14] =	ssyncset.done $0x0  }
0xce: {  	[sflag:s14] =	ssyncadd.s32 $0xFFFFE000  }
0xcf: {  	_ =	swait.ge [sflag:s23], $0x2000  }
0xd0: {  	[sflag:s23] =	ssyncset.done $0x0  }
0xd1: {  	[sflag:s23] =	ssyncadd.s32 $0xFFFFE000  }
0xd2: {  	v56 =	vld [tilespmem:$0x15380]  }
0xd3: {  	v57 =	vld [tilespmem:$0x15390]  }
0xd4: {  	v58 =	vld [tilespmem:$0x153A0]  }
0xd5: {  	v59 =	vld [tilespmem:$0x153B0]  }
0xd6: {  	v60 =	vld [tilespmem:$0x153C0]  }
0xd7: {  	v61 =	vld [tilespmem:$0x153D0];
	[tilespmem:$0x15400] =	vst v56  }
0xd8: {  	v62 =	vld [tilespmem:$0x153E0];
	[tilespmem:$0x15410] =	vst v57  }
0xd9: {  	v63 =	vld [tilespmem:$0x153F0];
	[tilespmem:$0x15420] =	vst v58  }
0xda: {  	[tilespmem:$0x15430] =	vst v59  }
0xdb: {  	[tilespmem:$0x15440] =	vst v60  }
0xdc: {  	s25 =	sadd.s32 $0x1, s25;
	[tilespmem:$0x15450] =	vst v61  }
0xdd: {  	p0 =	sne.s32 s25, $0x8;
	[tilespmem:$0x15460] =	vst v62  }
.Ltmp1:
0xde: {  	[tilespmem:$0x15470] =	vst v63;
	(pc) =	sbr.rel @p0 .LBB2_2-.Ltmp1, $4  }
0xdf: {  	[spmem:s3] =	stream.indirect.scatter.add.f32 [tilespmem:s20], [sflag:$0x3], $0x40, s22, s18, $0xb8;
	[tilespmem:$0x19480] =	vst v63  }
0xe0: {  	_ =	swait.ge [sflag:s14], $0x2000  }
0xe1: {  	[sflag:s14] =	ssyncset.done $0x0  }
0xe2: {  	[sflag:s14] =	ssyncadd.s32 $0xFFFFE000  }
0xe3: {  	s5 =	sadd.s32 $0x1, s5  }
0xe4: {  	p0 =	sne.s32 s5, s12  }
.Ltmp2:
0xe5: {  	[bflag:$0x0] =	sbarrier.arrive $0xFFFF;
	(pc) =	sbr.rel @p0 .LBB2_1-.Ltmp2, $4  }
0xe6: {  	[hbm:s11], [sflag:s8] =	dma.local [spmem:s13], $0x1400  }
0xe7: {  	_ =	swait.ge [sflag:s14], $0x1400  }
0xe8: {  	[sflag:s14] =	ssyncset.done $0x0  }
0xe9: {  	[sflag:s14] =	ssyncadd.s32 $0xFFFFEC00  }
0xea: {  	_ =	sfence.sel $0x180000  }
0xeb: {  	[bflag:$0x0] =	sbarrier.arrive $0xFFFF  }
0xec: {  	p0 =	sne.s32 s0, $0x0;
	_ =	strace $0x9000004D  }
0xed: {  	s0 =	sadd.s32 @!p0 $0x100000, s2;
	[bflag:$0x2] =	sbarrier.arrive $0xFFFF  }
0xee: {  	[sflag:s0] =	ssyncadd.tile.s32 @!p0 $0x1;
	_ =	shalt  }
.Lfunc_end2:
_tile_overlayer_lowered:
.L_overlay_start_2:
0xef: {  	(tag) =	ssettag $0x2  }
0xf0: {  	s0 =	rddreg [dreg:$0x0];
	s2 =	stileid.u32  }
0xf1: {  	s1 =	rddreg [dreg:$0x1];
	p0 =	sne.s32 s2, $0x0  }
0xf2: {  	s3 =	rddreg [dreg:$0x2];
	[bflag:$0x3] =	sbarrier.arrive $0xFFFF;
	s2 =	simm.s32 @!p0 $0x1C03  }
0xf3: {  	[timem:s3], [sflag:s2] =	dma.local @!p0 [hbm:s0], s1  }
0xf4: {  	s0 =	simm.s32 @!p0 $0x3  }
0xf5: {  	_ =	swait.ge @!p0 [sflag:s0], s1  }
0xf6: {  	s1 =	ssub.s32 @!p0 $0x0, s1;
	[sflag:s0] =	ssyncset.done @!p0 $0x0  }
0xf7: {  	[sflag:s0] =	ssyncadd.s32 @!p0 s1  }
0xf8: {  	[bflag:$0x3] =	sbarrier.arrive $0xFFFF  }
0xf9: {  	_ =	shalt  }

// kernel: kernel.8.cloned.1.call-start
scs
__scs_entry_jumppad:
0x0: {  	(pc) =	sbr.rel $0x88, $3  }
0x1: {  	(tag) =	ssettag $0x0;
	lr =	simm.s32 $0x1  }
0x2: {  	[smem:$0x3F9B] =	sst lr;
	_ =	strace $0xD0000000  }
0x3: {  	_ = 	snop  }
0x4: {  	_ = 	snop  }
0x5: {  	_ = 	snop  }
0x6: {  	_ = 	snop  }
0x7: {  	_ = 	snop  }
__scs_overlays_trampoline_lowered:
0x8: {  	[smem:$0x3FAA] =	sst s0  }
0x9: {  	[smem:$0x3FAB] =	sst s1  }
0xa: {  	[smem:$0x3FAC] =	sst s2  }
0xb: {  	[smem:$0x3FAD] =	sst s3  }
0xc: {  	[smem:$0x3FAE] =	sst s4  }
0xd: {  	[smem:$0x3FAF] =	sst s5  }
0xe: {  	[smem:$0x3FB0] =	sst s6  }
0xf: {  	[smem:$0x3FB1] =	sst s7  }
0x10: {  	[smem:$0x3FB2] =	sst s8  }
0x11: {  	[smem:$0x3FB3] =	sst s9;
	s0 =	simm.s32 @!p0 $0x0  }
0x12: {  	s1 =	sld [smem:$0x3F99];
	s0 =	simm.s32 @p0 $0x1  }
0x13: {  	[smem:$0x3FB4] =	sst s0;
	s0 =	simm.s32 @!p1 $0x0  }
0x14: {  	s2 =	sld [smem:$0x3F98];
	s0 =	simm.s32 @p1 $0x1  }
0x15: {  	[smem:$0x3FB5] =	sst s0;
	s0 =	simm.s32 @!p2 $0x0  }
0x16: {  	s3 =	sld [smem:$0x3FDB];
	s0 =	simm.s32 @p2 $0x1  }
0x17: {  	s4 =	simm.s32 $0x1BF5;
	[smem:$0x3FB7] =	sst s0  }
0x18: {  	s0 =	sld [smem:$0x3F9A];
	_ =	swait.ge [sflag:s4], $0x0  }
0x19: {  	s7 =	sld [smem:$0x3F9B]  }
0x1a: {  	s8 =	sadd.s32 $0xFFFFE003, lr  }
0x1b: {  	s9 =	sadd.s32 $0xFFFFFEF7, lr;
	s5 =	simm.s32 $0xFFFFFFFF;
	p2 =	slt.u32 s8, $0xFFFFF086  }
0x1c: {  	p1 =	slt.u32 s9, $0xF7A;
	s5 =	simm.s32 @!p2 $0x0  }
0x1d: {  	s5 =	simm.s32 @p1 $0x1;
	p0 =	seq.s32 s7, s2  }
0x1e: {  	s7 =	smul.u32 @!p0 $0xF7A, s2;
	p2 =	seq.s32 @!p0 s5, $0x0  }
0x1f: {  	s9 =	smul.u32 $0xF7A, s1;
	s8 =	simm.s32 @!p0 $0x1BF5;
	p2 =	por !p2, p0  }
0x20: {  	[sflag:s8] =	ssyncset.s32 @!p0 $0xFFFFF086;
	s6 =	sadd.s32 @!p0 s3, s7;
	s7 =	simm.s32 @!p0 $0x108  }
0x21: {  	s3 =	sadd.s32 s3, s9;
	s6 =	sadd.s32 @!p0 $0x88, s6;
	s7 =	simm.s32 @p2 $0x1082  }
0x22: {  	[simem:s7], [sflag:s8] =	dma.local @!p0 [hbm:s6], $0xF7A  }
0x23: {  	s9 =	sor.u32 $0xD0000000, s2;
	s6 =	simm.s32 $0x108;
	_ =	swait.ge @!p0 [sflag:s8], $0x0  }
0x24: {  	s3 =	sadd.s32 $0x88, s3;
	s6 =	simm.s32 @!p1 $0x1082;
	[sflag:s4] =	ssyncset.s32 $0xFFFFF086  }
0x25: {  	[simem:s6], [sflag:s4] =	dma.local [hbm:s3], $0xF7A  }
0x26: {  	[smem:$0x3F9B] =	sst s1;
	(tag) =	ssettag s2;
	_ =	strace s9  }
0x27: {  	s1 =	sld [smem:$0x3FAB]  }
0x28: {  	s2 =	sld [smem:$0x3FAC]  }
0x29: {  	s4 =	sld [smem:$0x3FAE]  }
0x2a: {  	p0 =	seq.s32 s5, $0x0;
	s5 =	sld [smem:$0x3FAF]  }
0x2b: {  	s6 =	sld [smem:$0x3FB0]  }
0x2c: {  	s7 =	sld [smem:$0x3FB1]  }
0x2d: {  	s3 =	simm.s32 $0x108;
	s8 =	sld [smem:$0x3FB2]  }
0x2e: {  	s3 =	simm.s32 @!p0 $0x1082;
	s9 =	sld [smem:$0x3FB3]  }
0x2f: {  	lr =	sadd.s32 s0, s3;
	s0 =	sld [smem:$0x3FAA]  }
0x30: {  	s3 =	sld [smem:$0x3FAD]  }
0x31: {  	[smem:$0x3FB6] =	sst s10  }
0x32: {  	s10 =	sld [smem:$0x3FB4];
	_ =	sdelay $0x3  }
0x33: {  	p0 =	seq.s32 s10, $0x1;
	s10 =	sld [smem:$0x3FB6];
	_ =	sdelay $0x3  }
0x34: {  	[smem:$0x3FB6] =	sst s10  }
0x35: {  	s10 =	sld [smem:$0x3FB5];
	_ =	sdelay $0x3  }
0x36: {  	p1 =	seq.s32 s10, $0x1;
	s10 =	sld [smem:$0x3FB6];
	_ =	sdelay $0x3  }
0x37: {  	[smem:$0x3FB6] =	sst s10  }
0x38: {  	s10 =	sld [smem:$0x3FB7]  }
0x39: {  	_ = 	snop;
	(pc) =	sbr.ind lr, $3  }
0x3a: {  	_ = 	snop  }
0x3b: {  	_ = 	snop  }
0x3c: {  	p2 =	seq.s32 s10, $0x1;
	s10 =	sld [smem:$0x3FB6]  }
0x3d: {  	_ =	shalt  }
0x3e: {  	_ =	shalt  }
0x3f: {  	_ =	shalt  }
0x40: {  	_ =	shalt  }
0x41: {  	_ =	shalt  }
0x42: {  	_ =	shalt  }
0x43: {  	_ =	shalt  }
0x44: {  	_ =	shalt  }
0x45: {  	_ =	shalt  }
0x46: {  	_ =	shalt  }
0x47: {  	_ =	shalt  }
0x48: {  	_ =	shalt  }
0x49: {  	_ =	shalt  }
0x4a: {  	_ =	shalt  }
0x4b: {  	_ =	shalt  }
0x4c: {  	_ =	shalt  }
0x4d: {  	_ =	shalt  }
0x4e: {  	_ =	shalt  }
0x4f: {  	_ =	shalt  }
0x50: {  	_ =	shalt  }
0x51: {  	_ =	shalt  }
0x52: {  	_ =	shalt  }
0x53: {  	_ =	shalt  }
0x54: {  	_ =	shalt  }
0x55: {  	_ =	shalt  }
0x56: {  	_ =	shalt  }
0x57: {  	_ =	shalt  }
0x58: {  	_ =	shalt  }
0x59: {  	_ =	shalt  }
0x5a: {  	_ =	shalt  }
0x5b: {  	_ =	shalt  }
0x5c: {  	_ =	shalt  }
0x5d: {  	_ =	shalt  }
0x5e: {  	_ =	shalt  }
0x5f: {  	_ =	shalt  }
0x60: {  	_ =	shalt  }
0x61: {  	_ =	shalt  }
0x62: {  	_ =	shalt  }
0x63: {  	_ =	shalt  }
0x64: {  	_ =	shalt  }
0x65: {  	_ =	shalt  }
0x66: {  	_ =	shalt  }
0x67: {  	_ =	shalt  }
0x68: {  	_ =	shalt  }
0x69: {  	_ =	shalt  }
0x6a: {  	_ =	shalt  }
0x6b: {  	_ =	shalt  }
0x6c: {  	_ =	shalt  }
0x6d: {  	_ =	shalt  }
0x6e: {  	_ =	shalt  }
0x6f: {  	_ =	shalt  }
0x70: {  	_ =	shalt  }
0x71: {  	_ =	shalt  }
0x72: {  	_ =	shalt  }
0x73: {  	_ =	shalt  }
0x74: {  	_ =	shalt  }
0x75: {  	_ =	shalt  }
0x76: {  	_ =	shalt  }
0x77: {  	_ =	shalt  }
0x78: {  	_ =	shalt  }
0x79: {  	_ =	shalt  }
0x7a: {  	_ =	shalt  }
0x7b: {  	_ =	shalt  }
0x7c: {  	_ =	shalt  }
0x7d: {  	_ =	shalt  }
0x7e: {  	_ =	shalt  }
0x7f: {  	_ =	shalt  }
0x80: {  	_ =	shalt  }
0x81: {  	_ =	shalt  }
0x82: {  	_ =	shalt  }
0x83: {  	_ =	shalt  }
0x84: {  	_ =	shalt  }
0x85: {  	_ =	shalt  }
0x86: {  	_ =	shalt  }
0x87: {  	_ =	shalt  }
.Lfunc_end0:
.L_simem_size_0:
called_computation_lowered:
.L_overlay_start_0:
0x88: {  	s2 =	sld [smem:$0x3FD9]  }
0x89: {  	s3 =	sld [smem:$0x3FFE];
	_ =	sdelay $0x1  }
0x8a: {  	s1 =	srdreg.scid  }
0x8b: {  	s0 =	sand.u32 $0x1, s1  }
0x8c: {  	s17 =	sshll.u32 s0, $0xA;
	s2 =	sadd.s32 s3, s2  }
0x8d: {  	s2 =	sadd.s32 s2, s17  }
0x8e: {  	[smem:$0x3FC2] =	sst s2  }
0x8f: {  	_ = 	snop  }
0x90: {  	s2 =	sld [smem:$0x3FD0];
	(tm) =	ssettm $0x1  }
0x91: {  	s18 =	sld [smem:$0x3FFB];
	_ =	sdelay $0x3  }
0x92: {  	_ =	strace s18  }
0x93: {  	s3 =	sld [smem:$0x3FFC];
	_ =	sdelay $0x3  }
0x94: {  	_ =	strace s3  }
0x95: {  	s3 =	sld [smem:$0x3FFD];
	_ =	sdelay $0x3  }
0x96: {  	_ =	strace s3  }
0x97: {  	_ =	strace $0x8FFFFFFF  }
0x98: {  	s19 =	sld [smem:$0x3FDB];
	_ =	sdelay $0x1  }
0x99: {  	s4 =	simm.s32 $_scs_section_size  }
0x9a: {  	s5 =	simm.s32 $_size__tile_overlayer_lowered;
	s6 =	simm.s32 $_tile_overlayer_lowered  }
0x9b: {  	s22 =	simm.s32 $0x1BFF;
	s21 =	sshll.u32 s6, $0x1;
	s3 =	sadd.s32 s4, s19  }
0x9c: {  	s7 =	simm.s32 $0x0;
	s20 =	sshll.u32 s5, $0x1;
	s5 =	sadd.s32 s21, s3  }
0x9d: {  	[timem:s7], [sflag:s22] =	dma.local [hbm:s5], s20  }
0x9e: {  	_ =	swait.ge [sflag:s22], s20  }
0x9f: {  	s4 =	ssub.s32 $0x0, s20;
	[sflag:s22] =	ssyncset.done $0x0  }
0xa0: {  	[sflag:s22] =	ssyncadd.s32 s4;
	_ =	sdelay $0x1  }
0xa1: {  	s23 =	simm.s32 $0x1B8B  }
0xa2: {  	_ =	swait.ge [sflag:s23], $0x1  }
0xa3: {  	[sflag:s23] =	ssyncset.done $0x0  }
0xa4: {  	s25 =	simm.s32 $0x1B8E;
	s24 =	sld [smem:$0x3FFE];
	[sflag:s23] =	ssyncadd.s32 $0xFFFFFFFF  }
0xa5: {  	s26 =	simm.s32 $execute0_lowered;
	[smem:$0x3FD2] =	sst s25  }
0xa6: {  	s5 =	sshll.u32 s26, $0x1;
	_ =	strace $0x80000046;
	[dreg:$0x1] =	wrdreg $0xFFFFFFFF  }
0xa7: {  	s28 =	simm.s32 $_size_execute0_lowered;
	s3 =	sadd.s32 s3, s5;
	[dreg:$0x0] =	wrdreg $0x0  }
0xa8: {  	s5 =	sshll.u32 s28, $0x1;
	[dreg:$0x2] =	wrdreg s3  }
0xa9: {  	[dreg:$0x3] =	wrdreg s5  }
0xaa: {  	[dreg:$0x4] =	wrdreg $0xC0  }
0xab: {  	_ =	task [dreg:s7], $0x5FFFF  }
0xac: {  	[dreg:$0x1] =	wrdreg $0xFFFFFFFF  }
0xad: {  	[dreg:$0x0] =	wrdreg $0x60  }
0xae: {  	[dreg:$0x2] =	wrdreg s2  }
0xaf: {  	[dreg:$0x3] =	wrdreg s24  }
0xb0: {  	[dreg:$0x4] =	wrdreg $0x0  }
0xb1: {  	[dreg:$0x5] =	wrdreg $0x9  }
0xb2: {  	_ =	task.clear_ibuf [dreg:s7], $0x6FFFF;
	_ =	strace $0x90000046  }
0xb3: {  	s29 =	simm.s32 $0x9;
	_ =	strace $0x80000048  }
0xb4: {  	_ =	swait.ge [sflag:s29], $0x1  }
0xb5: {  	[sflag:s29] =	ssyncadd.s32 $0xFFFFFFFF  }
0xb6: {  	_ =	strace $0x90000048  }
0xb7: {  	_ =	sfence  }
0xb8: {  	s30 =	sld [smem:$0x0];
	_ =	sdelay $0x2  }
0xb9: {  	s31 =	sshll.u32 s1, $0xD;
	s1 =	sshrl.u32 s1, $0x2  }
0xba: {  	s3 =	sand.u32 $0x4000, s31;
	s1 =	sadd.s32 s1, s30  }
0xbb: {  	s0 =	sor.u32 s3, s0;
	s1 =	sshll.u32 s1, $0x11  }
0xbc: {  	s0 =	sor.u32 s1, s0  }
0xbd: {  	s0 =	sadd.s32 $0x8F2B, s0  }
0xbe: {  	[sflag:s0] =	ssyncadd.remote.s32 $0x1  }
0xbf: {  	_ =	sfence.sel $0xFFFF  }
0xc0: {  	[dreg:$0x0] =	wrdreg $0xFFFFFFFF;
	(pc) =	sbr.abs _section_cstart, $3  }
0xc1: {  	[dreg:$0x1] =	wrdreg $0xFFFFFFFF  }
0xc2: {  	_ =	task.clear_ibuf [dreg:s7], $0x2FFFF;
	_ =	strace $0x9FFFFFFF  }
0xc3: {  	(tm) =	ssettm $0x7FFFFFFF  }
tec
execute0_lowered:
.L_overlay_start_1:
0x0: {  	(tag) =	ssettag $0x1  }
0x1: {  	s6 =	rddreg [dreg:$0x0]  }
0x2: {  	s7 =	rddreg [dreg:$0x1]  }
0x3: {  	s1 =	rddreg [dreg:$0x2]  }
0x4: {  	s2 =	srdreg.scid;
	s0 =	rddreg [dreg:$0x3]  }
0x5: {  	s3 =	simm.s32 $0x0;
	s13 =	simm.s32 $0x18000;
	s14 =	simm.s32 $0x80  }
0x6: {  	s15 =	simm.s32 $0x1A800;
	s16 =	simm.s32 $0x1A880;
	s17 =	simm.s32 $0x1  }
0x7: {  	s18 =	simm.s32 $0x2;
	s8 =	sand.u32 $0x1, s2;
	s2 =	stileid.u32  }
0x8: {  	s19 =	simm.s32 $0x0;
	[smem:$0x7FF] =	sst s3;
	s9 =	smul.u32 $0x140000, s8  }
0x9: {  	s4 =	sadd.s32 $0x1C00, s7;
	s5 =	sadd.s32 $0x2400, s7;
	s10 =	smul.u32 $0x14000, s2  }
0xa: {  	_ =	strace $0x80000047;
	s29 =	smul.u32 $0x50000, s2;
	s11 =	sshll.u32 s8, $0x4  }
0xb: {  	s8 =	ssub.s32 $0x2, s8;
	s31 =	sshll.u32 s2, $0x6;
	s11 =	sor.u32 s2, s11  }
0xc: {  	s12 =	sshrl.u32 s8, $0x1;
	s9 =	sadd.s32 s10, s9;
	s10 =	sshrl.u32 s29, $0x2  }
0xd: {  	s11 =	smul.u32 $0x500, s11;
	s8 =	ssub.s32 s8, s12;
	s9 =	sshrl.u32 s9, $0x3  }
0xe: {  	s30 =	sadd.s32 s10, s1;
	s8 =	smax.u32 s8, $0x1;
	s10 =	simm.s32 $0x3  }
0xf: {  	s7 =	sadd.s32 s9, s7;
	s6 =	sadd.s32 s6, s11;
	s9 =	simm.s32 $0x14000  }
0x10: {  	s11 =	sor.u32 $0x1C03, s31;
	s12 =	sshrl.u32 s30, $0x3;
	s7 =	sadd.s32 $0x4C00, s7  }
.LBB2_1:
0x11: {  	[tilespmem:s9], [sflag:$0x3] =	stream.linear.gather [hbm4b:s4+s3], $0x4000, $0x38;
	[tilespmem:$0x1A900] =	vst v63  }
0x12: {  	_ =	swait.ge [sflag:s10], $0x4000  }
0x13: {  	[sflag:s10] =	ssyncset.done $0x0  }
0x14: {  	[sflag:s10] =	ssyncadd.s32 $0xFFFFC000  }
0x15: {  	[spmem:s12], [sflag:s11] =	dma.local [hbm:s5], $0x2800  }
0x16: {  	_ =	swait.ge [sflag:s10], $0x2800  }
0x17: {  	[sflag:s10] =	ssyncset.done $0x0  }
0x18: {  	[sflag:s10] =	ssyncadd.s32 $0xFFFFD800  }
0x19: {  	[tilespmem:s13], [sflag:$0x3] =	stream.linear.gather [hbm4b:s6+s3], $0x2800, $0x38;
	[tilespmem:$0x1A900] =	vst v63  }
0x1a: {  	_ =	swait.ge [sflag:s10], $0x2800  }
0x1b: {  	[sflag:s10] =	ssyncset.done $0x0  }
0x1c: {  	[sflag:s10] =	ssyncadd.s32 $0xFFFFD800  }
0x1d: {  	[bflag:$0x0] =	sbarrier.arrive $0xFFFF  }
0x1e: {  	v0 =	vld [tilespmem:$0x18000]  }
0x1f: {  	v1 =	vld [tilespmem:$0x18010]  }
0x20: {  	v2 =	vld [tilespmem:$0x18020]  }
0x21: {  	v3 =	vld [tilespmem:$0x18030]  }
0x22: {  	v4 =	vld [tilespmem:$0x18040]  }
0x23: {  	v60 =	vld [tilespmem:$0x18050];
	[tilespmem:$0x1A800] =	vst v0  }
0x24: {  	v61 =	vld [tilespmem:$0x18060];
	[tilespmem:$0x1A810] =	vst v1  }
0x25: {  	v62 =	vld [tilespmem:$0x18070];
	[tilespmem:$0x1A820] =	vst v2  }
0x26: {  	[tilespmem:$0x1A830] =	vst v3  }
0x27: {  	[tilespmem:$0x1A840] =	vst v4  }
0x28: {  	[tilespmem:$0x1A850] =	vst v60  }
0x29: {  	[tilespmem:$0x1A860] =	vst v61  }
0x2a: {  	s20 =	simm.s32 $0x0;
	[tilespmem:$0x1A870] =	vst v62  }
0x2b: {  	[spmem:s1] =	stream.indirect.scatter.add.f32 [tilespmem:s9], [sflag:$0x1], $0x80, s15, s14, $0xb8;
	[tilespmem:$0x1A900] =	vst v63  }
0x2c: {  	v0 =	vld [tilespmem:s20+$0x18080];
	_ =	sdelay $0x4  }
0x2d: {  	[tilespmem:$0x1A880] =	vst v0  }
0x2e: {  	v0 =	vld [tilespmem:s20+$0x18090];
	_ =	sdelay $0x4  }
0x2f: {  	[tilespmem:$0x1A890] =	vst v0  }
0x30: {  	v0 =	vld [tilespmem:s20+$0x180A0];
	_ =	sdelay $0x4  }
0x31: {  	[tilespmem:$0x1A8A0] =	vst v0  }
0x32: {  	v0 =	vld [tilespmem:s20+$0x180B0];
	_ =	sdelay $0x4  }
0x33: {  	[tilespmem:$0x1A8B0] =	vst v0  }
0x34: {  	v0 =	vld [tilespmem:s20+$0x180C0];
	_ =	sdelay $0x4  }
0x35: {  	[tilespmem:$0x1A8C0] =	vst v0  }
0x36: {  	v0 =	vld [tilespmem:s20+$0x180D0];
	_ =	sdelay $0x4  }
0x37: {  	[tilespmem:$0x1A8D0] =	vst v0  }
0x38: {  	v0 =	vld [tilespmem:s20+$0x180E0];
	_ =	sdelay $0x4  }
0x39: {  	[tilespmem:$0x1A8E0] =	vst v0  }
0x3a: {  	v0 =	vld [tilespmem:s20+$0x180F0];
	_ =	sdelay $0x4  }
0x3b: {  	[tilespmem:$0x1A8F0] =	vst v0  }
0x3c: {  	[spmem:s1] =	stream.indirect.scatter.add.f32 [tilespmem:s9], [sflag:$0x2], $0x80, s16, s14, $0xb8;
	[tilespmem:$0x1A900] =	vst v63  }
0x3d: {  	_ =	swait.ge [sflag:s17], $0x4000  }
0x3e: {  	[sflag:s17] =	ssyncset.done $0x0  }
0x3f: {  	[sflag:s17] =	ssyncadd.s32 $0xFFFFC000  }
0x40: {  	v63 =	vld [tilespmem:s20+$0x18100];
	_ =	sdelay $0x4  }
0x41: {  	[tilespmem:$0x1A800] =	vst v63  }
0x42: {  	v0 =	vld [tilespmem:s20+$0x18110];
	_ =	sdelay $0x4  }
0x43: {  	[tilespmem:$0x1A810] =	vst v0  }
0x44: {  	v0 =	vld [tilespmem:s20+$0x18120];
	_ =	sdelay $0x4  }
0x45: {  	[tilespmem:$0x1A820] =	vst v0  }
0x46: {  	v0 =	vld [tilespmem:s20+$0x18130];
	_ =	sdelay $0x4  }
0x47: {  	[tilespmem:$0x1A830] =	vst v0  }
0x48: {  	v0 =	vld [tilespmem:s20+$0x18140];
	_ =	sdelay $0x4  }
0x49: {  	[tilespmem:$0x1A840] =	vst v0  }
0x4a: {  	v0 =	vld [tilespmem:s20+$0x18150];
	_ =	sdelay $0x4  }
0x4b: {  	[tilespmem:$0x1A850] =	vst v0  }
0x4c: {  	v0 =	vld [tilespmem:s20+$0x18160];
	_ =	sdelay $0x4  }
0x4d: {  	[tilespmem:$0x1A860] =	vst v0  }
0x4e: {  	v0 =	vld [tilespmem:s20+$0x18170];
	_ =	sdelay $0x4  }
0x4f: {  	[tilespmem:$0x1A870] =	vst v0  }
0x50: {  	[spmem:s1] =	stream.indirect.scatter.add.f32 [tilespmem:s9], [sflag:$0x1], $0x80, s15, s14, $0xb8;
	[tilespmem:$0x1A900] =	vst v63  }
0x51: {  	_ =	swait.ge [sflag:s18], $0x4000  }
0x52: {  	s23 =	simm.s32 $0x800;
	s20 =	simm.s32 $0x400;
	[sflag:s18] =	ssyncset.done $0x0  }
.LBB2_2:
0x53: {  	s22 =	sshra.s32 s20, $0x2  }
0x54: {  	[sflag:s18] =	ssyncadd.s32 $0xFFFFC000;
	s20 =	smov.u32 s23;
	s21 =	sadd.s32 $0x400, s23  }
0x55: {  	p0 =	sne.s32 s23, $0x9800;
	v0 =	vld [tilespmem:s22+$0x18080];
	_ =	sdelay $0x4  }
0x56: {  	[tilespmem:$0x1A880] =	vst v0  }
0x57: {  	v0 =	vld [tilespmem:s22+$0x18090];
	_ =	sdelay $0x4  }
0x58: {  	[tilespmem:$0x1A890] =	vst v0  }
0x59: {  	v0 =	vld [tilespmem:s22+$0x180A0];
	_ =	sdelay $0x4  }
0x5a: {  	[tilespmem:$0x1A8A0] =	vst v0  }
0x5b: {  	v0 =	vld [tilespmem:s22+$0x180B0];
	_ =	sdelay $0x4  }
0x5c: {  	[tilespmem:$0x1A8B0] =	vst v0  }
0x5d: {  	v0 =	vld [tilespmem:s22+$0x180C0];
	_ =	sdelay $0x4  }
0x5e: {  	[tilespmem:$0x1A8C0] =	vst v0  }
0x5f: {  	v0 =	vld [tilespmem:s22+$0x180D0];
	_ =	sdelay $0x4  }
0x60: {  	[tilespmem:$0x1A8D0] =	vst v0  }
0x61: {  	v0 =	vld [tilespmem:s22+$0x180E0];
	_ =	sdelay $0x4  }
0x62: {  	[tilespmem:$0x1A8E0] =	vst v0  }
0x63: {  	v0 =	vld [tilespmem:s22+$0x180F0];
	_ =	sdelay $0x4  }
0x64: {  	[tilespmem:$0x1A8F0] =	vst v0  }
0x65: {  	[spmem:s1] =	stream.indirect.scatter.add.f32 [tilespmem:s9], [sflag:$0x2], $0x80, s16, s14, $0xb8;
	[tilespmem:$0x1A900] =	vst v63  }
0x66: {  	_ =	swait.ge [sflag:s17], $0x4000  }
0x67: {  	[sflag:s17] =	ssyncset.done $0x0  }
0x68: {  	[sflag:s17] =	ssyncadd.s32 $0xFFFFC000  }
0x69: {  	v0 =	vld [tilespmem:s22+$0x18100];
	_ =	sdelay $0x4  }
0x6a: {  	[tilespmem:$0x1A800] =	vst v0  }
0x6b: {  	v0 =	vld [tilespmem:s22+$0x18110];
	_ =	sdelay $0x4  }
0x6c: {  	[tilespmem:$0x1A810] =	vst v0  }
0x6d: {  	v0 =	vld [tilespmem:s22+$0x18120];
	_ =	sdelay $0x4  }
0x6e: {  	[tilespmem:$0x1A820] =	vst v0  }
0x6f: {  	v0 =	vld [tilespmem:s22+$0x18130];
	_ =	sdelay $0x4  }
0x70: {  	[tilespmem:$0x1A830] =	vst v0  }
0x71: {  	v0 =	vld [tilespmem:s22+$0x18140];
	_ =	sdelay $0x4  }
0x72: {  	[tilespmem:$0x1A840] =	vst v0  }
0x73: {  	v0 =	vld [tilespmem:s22+$0x18150];
	_ =	sdelay $0x4  }
0x74: {  	[tilespmem:$0x1A850] =	vst v0  }
0x75: {  	v0 =	vld [tilespmem:s22+$0x18160];
	_ =	sdelay $0x4  }
0x76: {  	[tilespmem:$0x1A860] =	vst v0  }
0x77: {  	v0 =	vld [tilespmem:s22+$0x18170];
	_ =	sdelay $0x3  }
.Ltmp0:
0x78: {  	(pc) =	sbr.rel @p0 .LBB2_2-.Ltmp0, $4  }
0x79: {  	[tilespmem:$0x1A870] =	vst v0  }
0x7a: {  	[spmem:s1] =	stream.indirect.scatter.add.f32 [tilespmem:s9], [sflag:$0x1], $0x80, s15, s14, $0xb8;
	[tilespmem:$0x1A900] =	vst v63  }
0x7b: {  	_ =	swait.ge [sflag:s18], $0x4000  }
0x7c: {  	s23 =	smov.u32 s21;
	[sflag:s18] =	ssyncset.done $0x0  }
0x7d: {  	s20 =	sshra.s32 s20, $0x2;
	[sflag:s18] =	ssyncadd.s32 $0xFFFFC000  }
0x7e: {  	v0 =	vld [tilespmem:s20+$0x18080];
	_ =	sdelay $0x4  }
0x7f: {  	[tilespmem:$0x1A880] =	vst v0  }
0x80: {  	v0 =	vld [tilespmem:s20+$0x18090];
	_ =	sdelay $0x4  }
0x81: {  	[tilespmem:$0x1A890] =	vst v0  }
0x82: {  	v0 =	vld [tilespmem:s20+$0x180A0];
	_ =	sdelay $0x4  }
0x83: {  	[tilespmem:$0x1A8A0] =	vst v0  }
0x84: {  	v0 =	vld [tilespmem:s20+$0x180B0];
	_ =	sdelay $0x4  }
0x85: {  	[tilespmem:$0x1A8B0] =	vst v0  }
0x86: {  	v0 =	vld [tilespmem:s20+$0x180C0];
	_ =	sdelay $0x4  }
0x87: {  	[tilespmem:$0x1A8C0] =	vst v0  }
0x88: {  	v0 =	vld [tilespmem:s20+$0x180D0];
	_ =	sdelay $0x4  }
0x89: {  	[tilespmem:$0x1A8D0] =	vst v0  }
0x8a: {  	v0 =	vld [tilespmem:s20+$0x180E0];
	_ =	sdelay $0x4  }
0x8b: {  	[tilespmem:$0x1A8E0] =	vst v0  }
0x8c: {  	v0 =	vld [tilespmem:s20+$0x180F0];
	_ =	sdelay $0x4  }
0x8d: {  	[tilespmem:$0x1A8F0] =	vst v0  }
0x8e: {  	[spmem:s1] =	stream.indirect.scatter.add.f32 [tilespmem:s9], [sflag:$0x2], $0x80, s16, s14, $0xb8;
	[tilespmem:$0x1A900] =	vst v63  }
0x8f: {  	_ =	swait.ge [sflag:s17], $0x4000  }
0x90: {  	[sflag:s17] =	ssyncset.done $0x0  }
0x91: {  	[sflag:s17] =	ssyncadd.s32 $0xFFFFC000  }
0x92: {  	v59 =	vld [tilespmem:s20+$0x18100];
	_ =	sdelay $0x4  }
0x93: {  	[tilespmem:$0x1A800] =	vst v59  }
0x94: {  	v0 =	vld [tilespmem:s20+$0x18110];
	_ =	sdelay $0x4  }
0x95: {  	[tilespmem:$0x1A810] =	vst v0  }
0x96: {  	v0 =	vld [tilespmem:s20+$0x18120];
	_ =	sdelay $0x4  }
0x97: {  	[tilespmem:$0x1A820] =	vst v0  }
0x98: {  	v0 =	vld [tilespmem:s20+$0x18130];
	_ =	sdelay $0x4  }
0x99: {  	[tilespmem:$0x1A830] =	vst v0  }
0x9a: {  	v0 =	vld [tilespmem:s20+$0x18140];
	_ =	sdelay $0x4  }
0x9b: {  	[tilespmem:$0x1A840] =	vst v0  }
0x9c: {  	v0 =	vld [tilespmem:s20+$0x18150];
	_ =	sdelay $0x4  }
0x9d: {  	[tilespmem:$0x1A850] =	vst v0  }
0x9e: {  	v0 =	vld [tilespmem:s20+$0x18160];
	_ =	sdelay $0x4  }
0x9f: {  	[tilespmem:$0x1A860] =	vst v0  }
0xa0: {  	v0 =	vld [tilespmem:s20+$0x18170];
	_ =	sdelay $0x4  }
0xa1: {  	[tilespmem:$0x1A870] =	vst v0  }
0xa2: {  	[spmem:s1] =	stream.indirect.scatter.add.f32 [tilespmem:s9], [sflag:$0x1], $0x80, s15, s14, $0xb8;
	[tilespmem:$0x1A900] =	vst v63  }
0xa3: {  	_ =	swait.ge [sflag:s18], $0x4000  }
0xa4: {  	[sflag:s18] =	ssyncset.done $0x0  }
0xa5: {  	[sflag:s18] =	ssyncadd.s32 $0xFFFFC000  }
0xa6: {  	v60 =	vld [tilespmem:$0x1A780]  }
0xa7: {  	v1 =	vld [tilespmem:$0x1A790]  }
0xa8: {  	v2 =	vld [tilespmem:$0x1A7A0]  }
0xa9: {  	v3 =	vld [tilespmem:$0x1A7B0]  }
0xaa: {  	v4 =	vld [tilespmem:$0x1A7C0]  }
0xab: {  	v61 =	vld [tilespmem:$0x1A7D0];
	[tilespmem:$0x1A880] =	vst v60  }
0xac: {  	v62 =	vld [tilespmem:$0x1A7E0];
	[tilespmem:$0x1A890] =	vst v1  }
0xad: {  	v63 =	vld [tilespmem:$0x1A7F0];
	[tilespmem:$0x1A8A0] =	vst v2  }
0xae: {  	[tilespmem:$0x1A8B0] =	vst v3  }
0xaf: {  	[tilespmem:$0x1A8C0] =	vst v4  }
0xb0: {  	[tilespmem:$0x1A8D0] =	vst v61  }
0xb1: {  	[tilespmem:$0x1A8E0] =	vst v62  }
0xb2: {  	[tilespmem:$0x1A8F0] =	vst v63  }
0xb3: {  	[spmem:s1] =	stream.indirect.scatter.add.f32 [tilespmem:s9], [sflag:$0x2], $0x80, s16, s14, $0xb8;
	[tilespmem:$0x1A900] =	vst v63  }
0xb4: {  	_ =	swait.ge [sflag:s17], $0x4000  }
0xb5: {  	[sflag:s17] =	ssyncset.done $0x0  }
0xb6: {  	[sflag:s17] =	ssyncadd.s32 $0xFFFFC000  }
0xb7: {  	_ =	swait.ge [sflag:s18], $0x4000  }
0xb8: {  	s19 =	sadd.s32 $0x1, s19;
	[sflag:s18] =	ssyncset.done $0x0  }
0xb9: {  	p0 =	sne.s32 s19, s8;
	[sflag:s18] =	ssyncadd.s32 $0xFFFFC000  }
.Ltmp1:
0xba: {  	[bflag:$0x0] =	sbarrier.arrive $0xFFFF;
	(pc) =	sbr.rel @p0 .LBB2_1-.Ltmp1, $4  }
0xbb: {  	[hbm:s7], [sflag:s11] =	dma.local [spmem:s12], $0x2800  }
0xbc: {  	_ =	swait.ge [sflag:s10], $0x2800  }
0xbd: {  	[sflag:s10] =	ssyncset.done $0x0  }
0xbe: {  	[sflag:s10] =	ssyncadd.s32 $0xFFFFD800  }
0xbf: {  	_ =	sfence.sel $0x180000  }
0xc0: {  	[bflag:$0x0] =	sbarrier.arrive $0xFFFF  }
0xc1: {  	p0 =	sne.s32 s2, $0x0;
	_ =	strace $0x90000047  }
0xc2: {  	s0 =	sadd.s32 @!p0 $0x100000, s0;
	[bflag:$0x2] =	sbarrier.arrive $0xFFFF  }
0xc3: {  	[sflag:s0] =	ssyncadd.tile.s32 @!p0 $0x1;
	_ =	shalt  }
.Lfunc_end2:
_tile_overlayer_lowered:
.L_overlay_start_2:
0xc4: {  	(tag) =	ssettag $0x2  }
0xc5: {  	s0 =	rddreg [dreg:$0x0];
	s2 =	stileid.u32  }
0xc6: {  	s1 =	rddreg [dreg:$0x1];
	p0 =	sne.s32 s2, $0x0  }
0xc7: {  	s3 =	rddreg [dreg:$0x2];
	[bflag:$0x3] =	sbarrier.arrive $0xFFFF;
	s2 =	simm.s32 @!p0 $0x1C03  }
0xc8: {  	[timem:s3], [sflag:s2] =	dma.local @!p0 [hbm:s0], s1  }
0xc9: {  	s0 =	simm.s32 @!p0 $0x3  }
0xca: {  	_ =	swait.ge @!p0 [sflag:s0], s1  }
0xcb: {  	s1 =	ssub.s32 @!p0 $0x0, s1;
	[sflag:s0] =	ssyncset.done @!p0 $0x0  }
0xcc: {  	[sflag:s0] =	ssyncadd.s32 @!p0 s1  }
0xcd: {  	[bflag:$0x3] =	sbarrier.arrive $0xFFFF  }
0xce: {  	_ =	shalt  }

</sc_bundles>
